<compile_context>
chip_gen: v7x
topology: tpu7x:2x2x1
jax: 0.10.2.dev20260603
libtpu: 0.0.44.dev20260713+nightly
codegen_flags: <defaults>
</compile_context>

<pallas_src>
import functools

import jax
import jax.numpy as jnp
from jax import lax
from jax.experimental import pallas as pl
from jax.experimental.pallas import tpu as pltpu
from jax.experimental.pallas import tpu_sc as plsc

_PT = 128
_CT = 256


def _make_sc_kernel(B, C, P):
    NC = 2
    n_pc = P // _PT
    n_cc = C // _CT
    n_cg = _CT // 16

    mesh = plsc.VectorSubcoreMesh(core_axis_name="c", subcore_axis_name="s")

    @functools.partial(
        pl.kernel,
        mesh=mesh,
        out_type=jax.ShapeDtypeStruct((B, P, C), jnp.float32),
        compiler_params=pltpu.CompilerParams(needs_layout_passes=False),
        scratch_types=[
            pltpu.VMEM((_CT, _PT + 1), jnp.float32),
            pltpu.VMEM((_PT, _CT), jnp.float32),
            pltpu.VMEM((_PT, _CT), jnp.float32),
        ],
    )
    def k(x_hbm, pe_hbm, o_hbm, xbuf, pebuf, outbuf):
        b = lax.axis_index("s") * NC + lax.axis_index("c")
        iota16 = jnp.arange(16, dtype=jnp.int32)

        def do_chunk(ci, carry):
            p0 = pl.multiple_of((ci // n_cc) * _PT, _PT)
            c0 = pl.multiple_of((ci % n_cc) * _CT, _CT)
            pltpu.sync_copy(x_hbm.at[b, pl.ds(c0, _CT), pl.ds(p0, _PT)], xbuf.at[:, pl.ds(0, _PT)])
            pltpu.sync_copy(pe_hbm.at[pl.ds(p0, _PT), pl.ds(c0, _CT)], pebuf)

            def do_p(p, carry2):
                idx_p = jnp.full((16,), p, dtype=jnp.int32)
                for cg in range(n_cg):
                    cg0 = cg * 16
                    v = plsc.load_gather(xbuf, [cg0 + iota16, idx_p])
                    outbuf[p, pl.ds(cg0, 16)] = v + pebuf[p, pl.ds(cg0, 16)]
                return carry2

            lax.fori_loop(0, _PT, do_p, carry)
            pltpu.sync_copy(outbuf, o_hbm.at[b, pl.ds(p0, _PT), pl.ds(c0, _CT)])
            return carry

        lax.fori_loop(0, n_pc * n_cc, do_chunk, 0)

    return k


def kernel(image_feature, pe_table):
    B, C, H, W = image_feature.shape
    P = H * W
    x = image_feature.reshape(B, C, P)
    return _make_sc_kernel(B, C, P)(x, pe_table)

# --- scband reference (transcript-rebuilt; emitter-appended) ---
"""Pipeline reference for scband-positional-encoding-74904229642346 (READ-ONLY COPY).

The authoritative reference and input builder live on the scoring server;
editing this copy changes nothing except your own understanding.
"""

import jax, jax.numpy as jnp
import numpy as np

N_POSITIONS = 1024
EMB_DIM = 768

def setup_inputs(seed: int = 0) -> dict:
    key = jax.random.key(seed)
    k1, k2 = jax.random.split(key)
    image_feature = jax.random.normal(k1, (32, 768, 32, 32), dtype=jnp.float32)
    pe_table = jax.random.normal(k2, (N_POSITIONS, EMB_DIM), dtype=jnp.float32)
    return {"image_feature": image_feature, "pe_table": pe_table}

def reference(image_feature, pe_table):
    if image_feature.ndim != 4:
        raise ValueError('Image feature tensor must be 4D.')
    B, C, H, W = image_feature.shape
    # flatten(2).permute(0, 2, 1) -> [B, H*W, C]
    image_flatten = image_feature.reshape(B, C, H * W).transpose(0, 2, 1)
    indices = jnp.arange(N_POSITIONS)
    pe = jnp.take(pe_table, indices, axis=0)[None, :, :]
    image_flatten = image_flatten + pe
    return image_flatten

if __name__ == "__main__":
    import jax
    _d = setup_inputs()
    print(jax.jit(kernel)(*tuple(_d.values())))

</pallas_src>

<mosaic_0001>
#map = affine_map<(d0, d1) -> (0, 0, 0)>
#map1 = affine_map<(d0, d1) -> (0, 0)>
module attributes {stable_mosaic.version = 14 : i64} {
  func.func @k(%arg0: i32, %arg1: i32, %arg2: memref<32x768x1024xf32, #tpu.memory_space<hbm>>, %arg3: memref<1024x768xf32, #tpu.memory_space<hbm>>, %arg4: memref<32x1024x768xf32, #tpu.memory_space<hbm>>, %arg5: memref<256x129xf32, #tpu.memory_space<vmem>>, %arg6: memref<128x256xf32, #tpu.memory_space<vmem>>, %arg7: memref<128x256xf32, #tpu.memory_space<vmem>>) attributes {dimension_semantics = [#tpu.dimension_semantics<core_parallel>, #tpu.dimension_semantics<subcore_parallel>], iteration_bounds = array<i64: 2, 16>, scalar_prefetch = 0 : i64, scratch_operands = 3 : i64, tpu.core_type = #tpu.core_type<sc_vector_subcore>, window_params = [{transform_indices = #map}, {transform_indices = #map1}, {transform_indices = #map}]} {
    %mul3A = arith.constant 2 : i32
    %mul3A_0 = arith.muli %arg1, %mul3A : i32
    %add3A = arith.addi %mul3A_0, %arg0 : i32
    %iota3A = tpu.iota {dimensions = array<i32: 0>} : vector<16xi32>
    %scan3A = arith.constant 0 : i32
    %scan3A_1 = arith.constant 0 : i32
    %scan3A_2 = arith.constant 24 : i32
    %scan3A_3 = arith.addi %scan3A_1, %scan3A_2 : i32
    %scan3A_4 = arith.constant 1 : i32
    scf.for %scan3A_6 = %scan3A_1 to %scan3A_3 step %scan3A_4  : i32 {
      %jit3A = arith.constant 3 : i32
      %div3A = arith.divsi %scan3A_6, %jit3A : i32
      %sign3A = arith.constant 0 : i32
      %sign3A_7 = arith.cmpi sgt, %scan3A_6, %sign3A : i32
      %sign3A_8 = arith.extui %sign3A_7 : i1 to i32
      %sign3A_9 = arith.constant 0 : i32
      %sign3A_10 = arith.cmpi slt, %scan3A_6, %sign3A_9 : i32
      %sign3A_11 = arith.extui %sign3A_10 : i1 to i32
      %sign3A_12 = arith.subi %sign3A_8, %sign3A_11 : i32
      %sign3A_13 = arith.constant 0 : i32
      %sign3A_14 = arith.cmpi sgt, %jit3A, %sign3A_13 : i32
      %sign3A_15 = arith.extui %sign3A_14 : i1 to i32
      %sign3A_16 = arith.constant 0 : i32
      %sign3A_17 = arith.cmpi slt, %jit3A, %sign3A_16 : i32
      %sign3A_18 = arith.extui %sign3A_17 : i1 to i32
      %sign3A_19 = arith.subi %sign3A_15, %sign3A_18 : i32
      %ne3A = arith.cmpi ne, %sign3A_12, %sign3A_19 : i32
      %rem3A = arith.remsi %scan3A_6, %jit3A : i32
      %ne3A_20 = arith.constant 0 : i32
      %ne3A_21 = arith.cmpi ne, %rem3A, %ne3A_20 : i32
      %and3A = arith.andi %ne3A, %ne3A_21 : i1
      %sub3A = arith.constant 1 : i32
      %sub3A_22 = arith.subi %div3A, %sub3A : i32
      %select_n3A = arith.select %and3A, %sub3A_22, %div3A : i32
      %mul3A_23 = arith.constant 128 : i32
      %mul3A_24 = arith.muli %select_n3A, %mul3A_23 : i32
      %multiple_of3A = tpu.assume_multiple %mul3A_24, 128 : i32
      %jit3A_25 = arith.constant 3 : i32
      %eq3A = arith.constant 0 : i32
      %eq3A_26 = arith.cmpi eq, %jit3A_25, %eq3A : i32
      %jit3A_27 = arith.constant 1 : i32
      %select_n3A_28 = arith.select %eq3A_26, %jit3A_27, %jit3A_25 : i32
      %rem3A_29 = arith.remsi %scan3A_6, %select_n3A_28 : i32
      %ne3A_30 = arith.constant 0 : i32
      %ne3A_31 = arith.cmpi ne, %rem3A_29, %ne3A_30 : i32
      %lt3A = arith.constant 0 : i32
      %lt3A_32 = arith.cmpi slt, %rem3A_29, %lt3A : i32
      %lt3A_33 = arith.constant 0 : i32
      %lt3A_34 = arith.cmpi slt, %select_n3A_28, %lt3A_33 : i32
      %ne3A_35 = arith.xori %lt3A_32, %lt3A_34 : i1
      %and3A_36 = arith.andi %ne3A_35, %ne3A_31 : i1
      %add3A_37 = arith.addi %rem3A_29, %select_n3A_28 : i32
      %select_n3A_38 = arith.select %and3A_36, %add3A_37, %rem3A_29 : i32
      %mul3A_39 = arith.constant 256 : i32
      %mul3A_40 = arith.muli %select_n3A_38, %mul3A_39 : i32
      %multiple_of3A_41 = tpu.assume_multiple %mul3A_40, 256 : i32
      "tpu.region"() ({
        %run_scoped3A = tpu.sem_alloc : memref<!tpu.dma_semaphore, #tpu.memory_space<semaphore_mem>>
        %dma_start3A = arith.constant 0 : i32
        %dma_start3A_47 = arith.constant 0 : i32
        %dma_start3A_48 = tpu.memref_slice %arg5[%dma_start3A, %dma_start3A_47] : memref<256x129xf32, #tpu.memory_space<vmem>> -> memref<256x128xf32, #tpu.memory_space<vmem>>
        %dma_start3A_49 = tpu.memref_slice %arg2[%add3A, %multiple_of3A_41, %multiple_of3A] : memref<32x768x1024xf32, #tpu.memory_space<hbm>> -> memref<1x256x128xf32, #tpu.memory_space<hbm>>
        %dma_start3A_50 = tpu.memref_squeeze %dma_start3A_49 : memref<1x256x128xf32, #tpu.memory_space<hbm>> -> memref<256x128xf32, #tpu.memory_space<hbm>>
        %dma_start3A_51 = arith.constant 0 : i32
        %dma_start3A_52 = arith.constant 0 : i32
        %dma_start3A_53 = tpu.memref_slice %arg5[%dma_start3A_51, %dma_start3A_52] : memref<256x129xf32, #tpu.memory_space<vmem>> -> memref<256x128xf32, #tpu.memory_space<vmem>>
        %dma_start3A_54 = tpu.memref_slice %arg2[%add3A, %multiple_of3A_41, %multiple_of3A] : memref<32x768x1024xf32, #tpu.memory_space<hbm>> -> memref<1x256x128xf32, #tpu.memory_space<hbm>>
        %dma_start3A_55 = tpu.memref_squeeze %dma_start3A_54 : memref<1x256x128xf32, #tpu.memory_space<hbm>> -> memref<256x128xf32, #tpu.memory_space<hbm>>
        tpu.enqueue_dma source(%dma_start3A_55 : memref<256x128xf32, #tpu.memory_space<hbm>>) target(%dma_start3A_53 : memref<256x128xf32, #tpu.memory_space<vmem>>) target_semaphore(%run_scoped3A : memref<!tpu.dma_semaphore, #tpu.memory_space<semaphore_mem>>)
        %dma_wait3A = arith.constant 0 : i32
        %dma_wait3A_56 = arith.constant 0 : i32
        %dma_wait3A_57 = tpu.memref_slice %arg5[%dma_wait3A, %dma_wait3A_56] : memref<256x129xf32, #tpu.memory_space<vmem>> -> memref<256x128xf32, #tpu.memory_space<vmem>>
        %dma_wait3A_58 = tpu.memref_slice %arg2[%add3A, %multiple_of3A_41, %multiple_of3A] : memref<32x768x1024xf32, #tpu.memory_space<hbm>> -> memref<1x256x128xf32, #tpu.memory_space<hbm>>
        %dma_wait3A_59 = tpu.memref_squeeze %dma_wait3A_58 : memref<1x256x128xf32, #tpu.memory_space<hbm>> -> memref<256x128xf32, #tpu.memory_space<hbm>>
        %dma_wait3A_60 = arith.constant 0 : i32
        %dma_wait3A_61 = arith.constant 0 : i32
        %dma_wait3A_62 = tpu.memref_slice %arg5[%dma_wait3A_60, %dma_wait3A_61] : memref<256x129xf32, #tpu.memory_space<vmem>> -> memref<256x128xf32, #tpu.memory_space<vmem>>
        %dma_wait3A_63 = tpu.memref_slice %arg2[%add3A, %multiple_of3A_41, %multiple_of3A] : memref<32x768x1024xf32, #tpu.memory_space<hbm>> -> memref<1x256x128xf32, #tpu.memory_space<hbm>>
        %dma_wait3A_64 = tpu.memref_squeeze %dma_wait3A_63 : memref<1x256x128xf32, #tpu.memory_space<hbm>> -> memref<256x128xf32, #tpu.memory_space<hbm>>
        tpu.wait_dma2 semaphore(%run_scoped3A : memref<!tpu.dma_semaphore, #tpu.memory_space<semaphore_mem>>) src(%dma_wait3A_64 : memref<256x128xf32, #tpu.memory_space<hbm>>) dst(%dma_wait3A_62 : memref<256x128xf32, #tpu.memory_space<vmem>>)
        tpu.yield
      }) : () -> ()
      "tpu.region"() ({
        %run_scoped3A = tpu.sem_alloc : memref<!tpu.dma_semaphore, #tpu.memory_space<semaphore_mem>>
        %dma_start3A = tpu.memref_slice %arg3[%multiple_of3A, %multiple_of3A_41] : memref<1024x768xf32, #tpu.memory_space<hbm>> -> memref<128x256xf32, #tpu.memory_space<hbm>>
        %dma_start3A_47 = tpu.memref_slice %arg3[%multiple_of3A, %multiple_of3A_41] : memref<1024x768xf32, #tpu.memory_space<hbm>> -> memref<128x256xf32, #tpu.memory_space<hbm>>
        tpu.enqueue_dma source(%dma_start3A_47 : memref<128x256xf32, #tpu.memory_space<hbm>>) target(%arg6 : memref<128x256xf32, #tpu.memory_space<vmem>>) target_semaphore(%run_scoped3A : memref<!tpu.dma_semaphore, #tpu.memory_space<semaphore_mem>>)
        %dma_wait3A = tpu.memref_slice %arg3[%multiple_of3A, %multiple_of3A_41] : memref<1024x768xf32, #tpu.memory_space<hbm>> -> memref<128x256xf32, #tpu.memory_space<hbm>>
        %dma_wait3A_48 = tpu.memref_slice %arg3[%multiple_of3A, %multiple_of3A_41] : memref<1024x768xf32, #tpu.memory_space<hbm>> -> memref<128x256xf32, #tpu.memory_space<hbm>>
        tpu.wait_dma2 semaphore(%run_scoped3A : memref<!tpu.dma_semaphore, #tpu.memory_space<semaphore_mem>>) src(%dma_wait3A_48 : memref<128x256xf32, #tpu.memory_space<hbm>>) dst(%arg6 : memref<128x256xf32, #tpu.memory_space<vmem>>)
        tpu.yield
      }) : () -> ()
      %scan3A_42 = arith.constant 0 : i32
      %scan3A_43 = arith.constant 128 : i32
      %scan3A_44 = arith.addi %scan3A_42, %scan3A_43 : i32
      %scan3A_45 = arith.constant 1 : i32
      scf.for %scan3A_47 = %scan3A_42 to %scan3A_44 step %scan3A_45  : i32 {
        %broadcast_in_dim3A = vector.broadcast %scan3A_47 : i32 to vector<16xi32>
        %add3A_48 = arith.constant 0 : i32
        %add3A_49 = vector.broadcast %add3A_48 : i32 to vector<16xi32>
        %add3A_50 = arith.addi %add3A_49, %iota3A : vector<16xi32>
        %gather3A = tpu.vector_load_idx %arg5[%add3A_50, %broadcast_in_dim3A] : memref<256x129xf32, #tpu.memory_space<vmem>>[vector<16xi32>, vector<16xi32>], vector<16xf32>,
        %get3A = arith.index_cast %scan3A_47 : i32 to index
        %get3A_51 = arith.constant 0 : index
        %get3A_52 = tpu.vector_load %arg6[%get3A, %get3A_51] {strides = array<i32>} : memref<128x256xf32, #tpu.memory_space<vmem>>, vector<16xf32>,
        %add3A_53 = arith.addf %gather3A, %get3A_52 : vector<16xf32>
        %swap3A = arith.index_cast %scan3A_47 : i32 to index
        %swap3A_54 = arith.constant 0 : index
        %swap3A_55 = tpu.vector_load %arg7[%swap3A, %swap3A_54] {strides = array<i32>} : memref<128x256xf32, #tpu.memory_space<vmem>>, vector<16xf32>,
        tpu.vector_store %arg7[%swap3A, %swap3A_54], %add3A_53 {strides = array<i32>} : memref<128x256xf32, #tpu.memory_space<vmem>>, vector<16xf32>,
        %add3A_56 = arith.constant 16 : i32
        %add3A_57 = vector.broadcast %add3A_56 : i32 to vector<16xi32>
        %add3A_58 = arith.addi %add3A_57, %iota3A : vector<16xi32>
        %gather3A_59 = tpu.vector_load_idx %arg5[%add3A_58, %broadcast_in_dim3A] : memref<256x129xf32, #tpu.memory_space<vmem>>[vector<16xi32>, vector<16xi32>], vector<16xf32>,
        %get3A_60 = arith.index_cast %scan3A_47 : i32 to index
        %get3A_61 = arith.constant 16 : index
        %get3A_62 = tpu.vector_load %arg6[%get3A_60, %get3A_61] {strides = array<i32>} : memref<128x256xf32, #tpu.memory_space<vmem>>, vector<16xf32>,
        %add3A_63 = arith.addf %gather3A_59, %get3A_62 : vector<16xf32>
        %swap3A_64 = arith.index_cast %scan3A_47 : i32 to index
        %swap3A_65 = arith.constant 16 : index
        %swap3A_66 = tpu.vector_load %arg7[%swap3A_64, %swap3A_65] {strides = array<i32>} : memref<128x256xf32, #tpu.memory_space<vmem>>, vector<16xf32>,
        tpu.vector_store %arg7[%swap3A_64, %swap3A_65], %add3A_63 {strides = array<i32>} : memref<128x256xf32, #tpu.memory_space<vmem>>, vector<16xf32>,
        %add3A_67 = arith.constant 32 : i32
        %add3A_68 = vector.broadcast %add3A_67 : i32 to vector<16xi32>
        %add3A_69 = arith.addi %add3A_68, %iota3A : vector<16xi32>
        %gather3A_70 = tpu.vector_load_idx %arg5[%add3A_69, %broadcast_in_dim3A] : memref<256x129xf32, #tpu.memory_space<vmem>>[vector<16xi32>, vector<16xi32>], vector<16xf32>,
        %get3A_71 = arith.index_cast %scan3A_47 : i32 to index
        %get3A_72 = arith.constant 32 : index
        %get3A_73 = tpu.vector_load %arg6[%get3A_71, %get3A_72] {strides = array<i32>} : memref<128x256xf32, #tpu.memory_space<vmem>>, vector<16xf32>,
        %add3A_74 = arith.addf %gather3A_70, %get3A_73 : vector<16xf32>
        %swap3A_75 = arith.index_cast %scan3A_47 : i32 to index
        %swap3A_76 = arith.constant 32 : index
        %swap3A_77 = tpu.vector_load %arg7[%swap3A_75, %swap3A_76] {strides = array<i32>} : memref<128x256xf32, #tpu.memory_space<vmem>>, vector<16xf32>,
        tpu.vector_store %arg7[%swap3A_75, %swap3A_76], %add3A_74 {strides = array<i32>} : memref<128x256xf32, #tpu.memory_space<vmem>>, vector<16xf32>,
        %add3A_78 = arith.constant 48 : i32
        %add3A_79 = vector.broadcast %add3A_78 : i32 to vector<16xi32>
        %add3A_80 = arith.addi %add3A_79, %iota3A : vector<16xi32>
        %gather3A_81 = tpu.vector_load_idx %arg5[%add3A_80, %broadcast_in_dim3A] : memref<256x129xf32, #tpu.memory_space<vmem>>[vector<16xi32>, vector<16xi32>], vector<16xf32>,
        %get3A_82 = arith.index_cast %scan3A_47 : i32 to index
        %get3A_83 = arith.constant 48 : index
        %get3A_84 = tpu.vector_load %arg6[%get3A_82, %get3A_83] {strides = array<i32>} : memref<128x256xf32, #tpu.memory_space<vmem>>, vector<16xf32>,
        %add3A_85 = arith.addf %gather3A_81, %get3A_84 : vector<16xf32>
        %swap3A_86 = arith.index_cast %scan3A_47 : i32 to index
        %swap3A_87 = arith.constant 48 : index
        %swap3A_88 = tpu.vector_load %arg7[%swap3A_86, %swap3A_87] {strides = array<i32>} : memref<128x256xf32, #tpu.memory_space<vmem>>, vector<16xf32>,
        tpu.vector_store %arg7[%swap3A_86, %swap3A_87], %add3A_85 {strides = array<i32>} : memref<128x256xf32, #tpu.memory_space<vmem>>, vector<16xf32>,
        %add3A_89 = arith.constant 64 : i32
        %add3A_90 = vector.broadcast %add3A_89 : i32 to vector<16xi32>
        %add3A_91 = arith.addi %add3A_90, %iota3A : vector<16xi32>
        %gather3A_92 = tpu.vector_load_idx %arg5[%add3A_91, %broadcast_in_dim3A] : memref<256x129xf32, #tpu.memory_space<vmem>>[vector<16xi32>, vector<16xi32>], vector<16xf32>,
        %get3A_93 = arith.index_cast %scan3A_47 : i32 to index
        %get3A_94 = arith.constant 64 : index
        %get3A_95 = tpu.vector_load %arg6[%get3A_93, %get3A_94] {strides = array<i32>} : memref<128x256xf32, #tpu.memory_space<vmem>>, vector<16xf32>,
        %add3A_96 = arith.addf %gather3A_92, %get3A_95 : vector<16xf32>
        %swap3A_97 = arith.index_cast %scan3A_47 : i32 to index
        %swap3A_98 = arith.constant 64 : index
        %swap3A_99 = tpu.vector_load %arg7[%swap3A_97, %swap3A_98] {strides = array<i32>} : memref<128x256xf32, #tpu.memory_space<vmem>>, vector<16xf32>,
        tpu.vector_store %arg7[%swap3A_97, %swap3A_98], %add3A_96 {strides = array<i32>} : memref<128x256xf32, #tpu.memory_space<vmem>>, vector<16xf32>,
        %add3A_100 = arith.constant 80 : i32
        %add3A_101 = vector.broadcast %add3A_100 : i32 to vector<16xi32>
        %add3A_102 = arith.addi %add3A_101, %iota3A : vector<16xi32>
        %gather3A_103 = tpu.vector_load_idx %arg5[%add3A_102, %broadcast_in_dim3A] : memref<256x129xf32, #tpu.memory_space<vmem>>[vector<16xi32>, vector<16xi32>], vector<16xf32>,
        %get3A_104 = arith.index_cast %scan3A_47 : i32 to index
        %get3A_105 = arith.constant 80 : index
        %get3A_106 = tpu.vector_load %arg6[%get3A_104, %get3A_105] {strides = array<i32>} : memref<128x256xf32, #tpu.memory_space<vmem>>, vector<16xf32>,
        %add3A_107 = arith.addf %gather3A_103, %get3A_106 : vector<16xf32>
        %swap3A_108 = arith.index_cast %scan3A_47 : i32 to index
        %swap3A_109 = arith.constant 80 : index
        %swap3A_110 = tpu.vector_load %arg7[%swap3A_108, %swap3A_109] {strides = array<i32>} : memref<128x256xf32, #tpu.memory_space<vmem>>, vector<16xf32>,
        tpu.vector_store %arg7[%swap3A_108, %swap3A_109], %add3A_107 {strides = array<i32>} : memref<128x256xf32, #tpu.memory_space<vmem>>, vector<16xf32>,
        %add3A_111 = arith.constant 96 : i32
        %add3A_112 = vector.broadcast %add3A_111 : i32 to vector<16xi32>
        %add3A_113 = arith.addi %add3A_112, %iota3A : vector<16xi32>
        %gather3A_114 = tpu.vector_load_idx %arg5[%add3A_113, %broadcast_in_dim3A] : memref<256x129xf32, #tpu.memory_space<vmem>>[vector<16xi32>, vector<16xi32>], vector<16xf32>,
        %get3A_115 = arith.index_cast %scan3A_47 : i32 to index
        %get3A_116 = arith.constant 96 : index
        %get3A_117 = tpu.vector_load %arg6[%get3A_115, %get3A_116] {strides = array<i32>} : memref<128x256xf32, #tpu.memory_space<vmem>>, vector<16xf32>,
        %add3A_118 = arith.addf %gather3A_114, %get3A_117 : vector<16xf32>
        %swap3A_119 = arith.index_cast %scan3A_47 : i32 to index
        %swap3A_120 = arith.constant 96 : index
        %swap3A_121 = tpu.vector_load %arg7[%swap3A_119, %swap3A_120] {strides = array<i32>} : memref<128x256xf32, #tpu.memory_space<vmem>>, vector<16xf32>,
        tpu.vector_store %arg7[%swap3A_119, %swap3A_120], %add3A_118 {strides = array<i32>} : memref<128x256xf32, #tpu.memory_space<vmem>>, vector<16xf32>,
        %add3A_122 = arith.constant 112 : i32
        %add3A_123 = vector.broadcast %add3A_122 : i32 to vector<16xi32>
        %add3A_124 = arith.addi %add3A_123, %iota3A : vector<16xi32>
        %gather3A_125 = tpu.vector_load_idx %arg5[%add3A_124, %broadcast_in_dim3A] : memref<256x129xf32, #tpu.memory_space<vmem>>[vector<16xi32>, vector<16xi32>], vector<16xf32>,
        %get3A_126 = arith.index_cast %scan3A_47 : i32 to index
        %get3A_127 = arith.constant 112 : index
        %get3A_128 = tpu.vector_load %arg6[%get3A_126, %get3A_127] {strides = array<i32>} : memref<128x256xf32, #tpu.memory_space<vmem>>, vector<16xf32>,
        %add3A_129 = arith.addf %gather3A_125, %get3A_128 : vector<16xf32>
        %swap3A_130 = arith.index_cast %scan3A_47 : i32 to index
        %swap3A_131 = arith.constant 112 : index
        %swap3A_132 = tpu.vector_load %arg7[%swap3A_130, %swap3A_131] {strides = array<i32>} : memref<128x256xf32, #tpu.memory_space<vmem>>, vector<16xf32>,
        tpu.vector_store %arg7[%swap3A_130, %swap3A_131], %add3A_129 {strides = array<i32>} : memref<128x256xf32, #tpu.memory_space<vmem>>, vector<16xf32>,
        %add3A_133 = arith.constant 128 : i32
        %add3A_134 = vector.broadcast %add3A_133 : i32 to vector<16xi32>
        %add3A_135 = arith.addi %add3A_134, %iota3A : vector<16xi32>
        %gather3A_136 = tpu.vector_load_idx %arg5[%add3A_135, %broadcast_in_dim3A] : memref<256x129xf32, #tpu.memory_space<vmem>>[vector<16xi32>, vector<16xi32>], vector<16xf32>,
        %get3A_137 = arith.index_cast %scan3A_47 : i32 to index
        %get3A_138 = arith.constant 128 : index
        %get3A_139 = tpu.vector_load %arg6[%get3A_137, %get3A_138] {strides = array<i32>} : memref<128x256xf32, #tpu.memory_space<vmem>>, vector<16xf32>,
        %add3A_140 = arith.addf %gather3A_136, %get3A_139 : vector<16xf32>
        %swap3A_141 = arith.index_cast %scan3A_47 : i32 to index
        %swap3A_142 = arith.constant 128 : index
        %swap3A_143 = tpu.vector_load %arg7[%swap3A_141, %swap3A_142] {strides = array<i32>} : memref<128x256xf32, #tpu.memory_space<vmem>>, vector<16xf32>,
        tpu.vector_store %arg7[%swap3A_141, %swap3A_142], %add3A_140 {strides = array<i32>} : memref<128x256xf32, #tpu.memory_space<vmem>>, vector<16xf32>,
        %add3A_144 = arith.constant 144 : i32
        %add3A_145 = vector.broadcast %add3A_144 : i32 to vector<16xi32>
        %add3A_146 = arith.addi %add3A_145, %iota3A : vector<16xi32>
        %gather3A_147 = tpu.vector_load_idx %arg5[%add3A_146, %broadcast_in_dim3A] : memref<256x129xf32, #tpu.memory_space<vmem>>[vector<16xi32>, vector<16xi32>], vector<16xf32>,
        %get3A_148 = arith.index_cast %scan3A_47 : i32 to index
        %get3A_149 = arith.constant 144 : index
        %get3A_150 = tpu.vector_load %arg6[%get3A_148, %get3A_149] {strides = array<i32>} : memref<128x256xf32, #tpu.memory_space<vmem>>, vector<16xf32>,
        %add3A_151 = arith.addf %gather3A_147, %get3A_150 : vector<16xf32>
        %swap3A_152 = arith.index_cast %scan3A_47 : i32 to index
        %swap3A_153 = arith.constant 144 : index
        %swap3A_154 = tpu.vector_load %arg7[%swap3A_152, %swap3A_153] {strides = array<i32>} : memref<128x256xf32, #tpu.memory_space<vmem>>, vector<16xf32>,
        tpu.vector_store %arg7[%swap3A_152, %swap3A_153], %add3A_151 {strides = array<i32>} : memref<128x256xf32, #tpu.memory_space<vmem>>, vector<16xf32>,
        %add3A_155 = arith.constant 160 : i32
        %add3A_156 = vector.broadcast %add3A_155 : i32 to vector<16xi32>
        %add3A_157 = arith.addi %add3A_156, %iota3A : vector<16xi32>
        %gather3A_158 = tpu.vector_load_idx %arg5[%add3A_157, %broadcast_in_dim3A] : memref<256x129xf32, #tpu.memory_space<vmem>>[vector<16xi32>, vector<16xi32>], vector<16xf32>,
        %get3A_159 = arith.index_cast %scan3A_47 : i32 to index
        %get3A_160 = arith.constant 160 : index
        %get3A_161 = tpu.vector_load %arg6[%get3A_159, %get3A_160] {strides = array<i32>} : memref<128x256xf32, #tpu.memory_space<vmem>>, vector<16xf32>,
        %add3A_162 = arith.addf %gather3A_158, %get3A_161 : vector<16xf32>
        %swap3A_163 = arith.index_cast %scan3A_47 : i32 to index
        %swap3A_164 = arith.constant 160 : index
        %swap3A_165 = tpu.vector_load %arg7[%swap3A_163, %swap3A_164] {strides = array<i32>} : memref<128x256xf32, #tpu.memory_space<vmem>>, vector<16xf32>,
        tpu.vector_store %arg7[%swap3A_163, %swap3A_164], %add3A_162 {strides = array<i32>} : memref<128x256xf32, #tpu.memory_space<vmem>>, vector<16xf32>,
        %add3A_166 = arith.constant 176 : i32
        %add3A_167 = vector.broadcast %add3A_166 : i32 to vector<16xi32>
        %add3A_168 = arith.addi %add3A_167, %iota3A : vector<16xi32>
        %gather3A_169 = tpu.vector_load_idx %arg5[%add3A_168, %broadcast_in_dim3A] : memref<256x129xf32, #tpu.memory_space<vmem>>[vector<16xi32>, vector<16xi32>], vector<16xf32>,
        %get3A_170 = arith.index_cast %scan3A_47 : i32 to index
        %get3A_171 = arith.constant 176 : index
        %get3A_172 = tpu.vector_load %arg6[%get3A_170, %get3A_171] {strides = array<i32>} : memref<128x256xf32, #tpu.memory_space<vmem>>, vector<16xf32>,
        %add3A_173 = arith.addf %gather3A_169, %get3A_172 : vector<16xf32>
        %swap3A_174 = arith.index_cast %scan3A_47 : i32 to index
        %swap3A_175 = arith.constant 176 : index
        %swap3A_176 = tpu.vector_load %arg7[%swap3A_174, %swap3A_175] {strides = array<i32>} : memref<128x256xf32, #tpu.memory_space<vmem>>, vector<16xf32>,
        tpu.vector_store %arg7[%swap3A_174, %swap3A_175], %add3A_173 {strides = array<i32>} : memref<128x256xf32, #tpu.memory_space<vmem>>, vector<16xf32>,
        %add3A_177 = arith.constant 192 : i32
        %add3A_178 = vector.broadcast %add3A_177 : i32 to vector<16xi32>
        %add3A_179 = arith.addi %add3A_178, %iota3A : vector<16xi32>
        %gather3A_180 = tpu.vector_load_idx %arg5[%add3A_179, %broadcast_in_dim3A] : memref<256x129xf32, #tpu.memory_space<vmem>>[vector<16xi32>, vector<16xi32>], vector<16xf32>,
        %get3A_181 = arith.index_cast %scan3A_47 : i32 to index
        %get3A_182 = arith.constant 192 : index
        %get3A_183 = tpu.vector_load %arg6[%get3A_181, %get3A_182] {strides = array<i32>} : memref<128x256xf32, #tpu.memory_space<vmem>>, vector<16xf32>,
        %add3A_184 = arith.addf %gather3A_180, %get3A_183 : vector<16xf32>
        %swap3A_185 = arith.index_cast %scan3A_47 : i32 to index
        %swap3A_186 = arith.constant 192 : index
        %swap3A_187 = tpu.vector_load %arg7[%swap3A_185, %swap3A_186] {strides = array<i32>} : memref<128x256xf32, #tpu.memory_space<vmem>>, vector<16xf32>,
        tpu.vector_store %arg7[%swap3A_185, %swap3A_186], %add3A_184 {strides = array<i32>} : memref<128x256xf32, #tpu.memory_space<vmem>>, vector<16xf32>,
        %add3A_188 = arith.constant 208 : i32
        %add3A_189 = vector.broadcast %add3A_188 : i32 to vector<16xi32>
        %add3A_190 = arith.addi %add3A_189, %iota3A : vector<16xi32>
        %gather3A_191 = tpu.vector_load_idx %arg5[%add3A_190, %broadcast_in_dim3A] : memref<256x129xf32, #tpu.memory_space<vmem>>[vector<16xi32>, vector<16xi32>], vector<16xf32>,
        %get3A_192 = arith.index_cast %scan3A_47 : i32 to index
        %get3A_193 = arith.constant 208 : index
        %get3A_194 = tpu.vector_load %arg6[%get3A_192, %get3A_193] {strides = array<i32>} : memref<128x256xf32, #tpu.memory_space<vmem>>, vector<16xf32>,
        %add3A_195 = arith.addf %gather3A_191, %get3A_194 : vector<16xf32>
        %swap3A_196 = arith.index_cast %scan3A_47 : i32 to index
        %swap3A_197 = arith.constant 208 : index
        %swap3A_198 = tpu.vector_load %arg7[%swap3A_196, %swap3A_197] {strides = array<i32>} : memref<128x256xf32, #tpu.memory_space<vmem>>, vector<16xf32>,
        tpu.vector_store %arg7[%swap3A_196, %swap3A_197], %add3A_195 {strides = array<i32>} : memref<128x256xf32, #tpu.memory_space<vmem>>, vector<16xf32>,
        %add3A_199 = arith.constant 224 : i32
        %add3A_200 = vector.broadcast %add3A_199 : i32 to vector<16xi32>
        %add3A_201 = arith.addi %add3A_200, %iota3A : vector<16xi32>
        %gather3A_202 = tpu.vector_load_idx %arg5[%add3A_201, %broadcast_in_dim3A] : memref<256x129xf32, #tpu.memory_space<vmem>>[vector<16xi32>, vector<16xi32>], vector<16xf32>,
        %get3A_203 = arith.index_cast %scan3A_47 : i32 to index
        %get3A_204 = arith.constant 224 : index
        %get3A_205 = tpu.vector_load %arg6[%get3A_203, %get3A_204] {strides = array<i32>} : memref<128x256xf32, #tpu.memory_space<vmem>>, vector<16xf32>,
        %add3A_206 = arith.addf %gather3A_202, %get3A_205 : vector<16xf32>
        %swap3A_207 = arith.index_cast %scan3A_47 : i32 to index
        %swap3A_208 = arith.constant 224 : index
        %swap3A_209 = tpu.vector_load %arg7[%swap3A_207, %swap3A_208] {strides = array<i32>} : memref<128x256xf32, #tpu.memory_space<vmem>>, vector<16xf32>,
        tpu.vector_store %arg7[%swap3A_207, %swap3A_208], %add3A_206 {strides = array<i32>} : memref<128x256xf32, #tpu.memory_space<vmem>>, vector<16xf32>,
        %add3A_210 = arith.constant 240 : i32
        %add3A_211 = vector.broadcast %add3A_210 : i32 to vector<16xi32>
        %add3A_212 = arith.addi %add3A_211, %iota3A : vector<16xi32>
        %gather3A_213 = tpu.vector_load_idx %arg5[%add3A_212, %broadcast_in_dim3A] : memref<256x129xf32, #tpu.memory_space<vmem>>[vector<16xi32>, vector<16xi32>], vector<16xf32>,
        %get3A_214 = arith.index_cast %scan3A_47 : i32 to index
        %get3A_215 = arith.constant 240 : index
        %get3A_216 = tpu.vector_load %arg6[%get3A_214, %get3A_215] {strides = array<i32>} : memref<128x256xf32, #tpu.memory_space<vmem>>, vector<16xf32>,
        %add3A_217 = arith.addf %gather3A_213, %get3A_216 : vector<16xf32>
        %swap3A_218 = arith.index_cast %scan3A_47 : i32 to index
        %swap3A_219 = arith.constant 240 : index
        %swap3A_220 = tpu.vector_load %arg7[%swap3A_218, %swap3A_219] {strides = array<i32>} : memref<128x256xf32, #tpu.memory_space<vmem>>, vector<16xf32>,
        tpu.vector_store %arg7[%swap3A_218, %swap3A_219], %add3A_217 {strides = array<i32>} : memref<128x256xf32, #tpu.memory_space<vmem>>, vector<16xf32>,
      }
      %scan3A_46 = arith.constant 128 : i32
      "tpu.region"() ({
        %run_scoped3A = tpu.sem_alloc : memref<!tpu.dma_semaphore, #tpu.memory_space<semaphore_mem>>
        %dma_start3A = tpu.memref_slice %arg4[%add3A, %multiple_of3A, %multiple_of3A_41] : memref<32x1024x768xf32, #tpu.memory_space<hbm>> -> memref<1x128x256xf32, #tpu.memory_space<hbm>>
        %dma_start3A_47 = tpu.memref_squeeze %dma_start3A : memref<1x128x256xf32, #tpu.memory_space<hbm>> -> memref<128x256xf32, #tpu.memory_space<hbm>>
        %dma_start3A_48 = tpu.memref_slice %arg4[%add3A, %multiple_of3A, %multiple_of3A_41] : memref<32x1024x768xf32, #tpu.memory_space<hbm>> -> memref<1x128x256xf32, #tpu.memory_space<hbm>>
        %dma_start3A_49 = tpu.memref_squeeze %dma_start3A_48 : memref<1x128x256xf32, #tpu.memory_space<hbm>> -> memref<128x256xf32, #tpu.memory_space<hbm>>
        tpu.enqueue_dma source(%arg7 : memref<128x256xf32, #tpu.memory_space<vmem>>) target(%dma_start3A_49 : memref<128x256xf32, #tpu.memory_space<hbm>>) target_semaphore(%run_scoped3A : memref<!tpu.dma_semaphore, #tpu.memory_space<semaphore_mem>>)
        %dma_wait3A = tpu.memref_slice %arg4[%add3A, %multiple_of3A, %multiple_of3A_41] : memref<32x1024x768xf32, #tpu.memory_space<hbm>> -> memref<1x128x256xf32, #tpu.memory_space<hbm>>
        %dma_wait3A_50 = tpu.memref_squeeze %dma_wait3A : memref<1x128x256xf32, #tpu.memory_space<hbm>> -> memref<128x256xf32, #tpu.memory_space<hbm>>
        %dma_wait3A_51 = tpu.memref_slice %arg4[%add3A, %multiple_of3A, %multiple_of3A_41] : memref<32x1024x768xf32, #tpu.memory_space<hbm>> -> memref<1x128x256xf32, #tpu.memory_space<hbm>>
        %dma_wait3A_52 = tpu.memref_squeeze %dma_wait3A_51 : memref<1x128x256xf32, #tpu.memory_space<hbm>> -> memref<128x256xf32, #tpu.memory_space<hbm>>
        tpu.wait_dma2 semaphore(%run_scoped3A : memref<!tpu.dma_semaphore, #tpu.memory_space<semaphore_mem>>) src(%arg7 : memref<128x256xf32, #tpu.memory_space<vmem>>) dst(%dma_wait3A_52 : memref<128x256xf32, #tpu.memory_space<hbm>>)
        tpu.yield
      }) : () -> ()
    }
    %scan3A_5 = arith.constant 24 : i32
    return
  }
}

</mosaic_0001>

<sc_bundles>
// kernel: kernel.3.cloned.1.call-start
scs
__scs_entry_jumppad:
0x0: {  	(pc) =	sbr.rel $0x88, $3  }
0x1: {  	(tag) =	ssettag $0x0;
	lr =	simm.s32 $0x1  }
0x2: {  	[smem:$0x3F9F] =	sst lr;
	_ =	strace $0xD0000000  }
0x3: {  	_ = 	snop  }
0x4: {  	_ = 	snop  }
0x5: {  	_ = 	snop  }
0x6: {  	_ = 	snop  }
0x7: {  	_ = 	snop  }
__scs_overlays_trampoline_lowered:
0x8: {  	[smem:$0x3FAE] =	sst s0  }
0x9: {  	[smem:$0x3FAF] =	sst s1  }
0xa: {  	[smem:$0x3FB0] =	sst s2  }
0xb: {  	[smem:$0x3FB1] =	sst s3  }
0xc: {  	[smem:$0x3FB2] =	sst s4  }
0xd: {  	[smem:$0x3FB3] =	sst s5  }
0xe: {  	[smem:$0x3FB4] =	sst s6  }
0xf: {  	[smem:$0x3FB5] =	sst s7  }
0x10: {  	[smem:$0x3FB6] =	sst s8  }
0x11: {  	[smem:$0x3FB7] =	sst s9;
	s0 =	simm.s32 @!p0 $0x0  }
0x12: {  	s1 =	sld [smem:$0x3F9D];
	s0 =	simm.s32 @p0 $0x1  }
0x13: {  	[smem:$0x3FB8] =	sst s0;
	s0 =	simm.s32 @!p1 $0x0  }
0x14: {  	s2 =	sld [smem:$0x3F9C];
	s0 =	simm.s32 @p1 $0x1  }
0x15: {  	[smem:$0x3FB9] =	sst s0;
	s0 =	simm.s32 @!p2 $0x0  }
0x16: {  	s3 =	sld [smem:$0x3FDB];
	s0 =	simm.s32 @p2 $0x1  }
0x17: {  	s4 =	simm.s32 $0x1BF5;
	[smem:$0x3FBB] =	sst s0  }
0x18: {  	s0 =	sld [smem:$0x3F9E];
	_ =	swait.ge [sflag:s4], $0x0  }
0x19: {  	s7 =	sld [smem:$0x3F9F]  }
0x1a: {  	s8 =	sadd.s32 $0xFFFFE003, lr  }
0x1b: {  	s9 =	sadd.s32 $0xFFFFFEF7, lr;
	s5 =	simm.s32 $0xFFFFFFFF;
	p2 =	slt.u32 s8, $0xFFFFF086  }
0x1c: {  	p1 =	slt.u32 s9, $0xF7A;
	s5 =	simm.s32 @!p2 $0x0  }
0x1d: {  	s5 =	simm.s32 @p1 $0x1;
	p0 =	seq.s32 s7, s2  }
0x1e: {  	s7 =	smul.u32 @!p0 $0xF7A, s2;
	p2 =	seq.s32 @!p0 s5, $0x0  }
0x1f: {  	s9 =	smul.u32 $0xF7A, s1;
	s8 =	simm.s32 @!p0 $0x1BF5;
	p2 =	por !p2, p0  }
0x20: {  	[sflag:s8] =	ssyncset.s32 @!p0 $0xFFFFF086;
	s6 =	sadd.s32 @!p0 s3, s7;
	s7 =	simm.s32 @!p0 $0x108  }
0x21: {  	s3 =	sadd.s32 s3, s9;
	s6 =	sadd.s32 @!p0 $0x88, s6;
	s7 =	simm.s32 @p2 $0x1082  }
0x22: {  	[simem:s7], [sflag:s8] =	dma.local @!p0 [hbm:s6], $0xF7A  }
0x23: {  	s9 =	sor.u32 $0xD0000000, s2;
	s6 =	simm.s32 $0x108;
	_ =	swait.ge @!p0 [sflag:s8], $0x0  }
0x24: {  	s3 =	sadd.s32 $0x88, s3;
	s6 =	simm.s32 @!p1 $0x1082;
	[sflag:s4] =	ssyncset.s32 $0xFFFFF086  }
0x25: {  	[simem:s6], [sflag:s4] =	dma.local [hbm:s3], $0xF7A  }
0x26: {  	[smem:$0x3F9F] =	sst s1;
	(tag) =	ssettag s2;
	_ =	strace s9  }
0x27: {  	s1 =	sld [smem:$0x3FAF]  }
0x28: {  	s2 =	sld [smem:$0x3FB0]  }
0x29: {  	s4 =	sld [smem:$0x3FB2]  }
0x2a: {  	p0 =	seq.s32 s5, $0x0;
	s5 =	sld [smem:$0x3FB3]  }
0x2b: {  	s6 =	sld [smem:$0x3FB4]  }
0x2c: {  	s7 =	sld [smem:$0x3FB5]  }
0x2d: {  	s3 =	simm.s32 $0x108;
	s8 =	sld [smem:$0x3FB6]  }
0x2e: {  	s3 =	simm.s32 @!p0 $0x1082;
	s9 =	sld [smem:$0x3FB7]  }
0x2f: {  	lr =	sadd.s32 s0, s3;
	s0 =	sld [smem:$0x3FAE]  }
0x30: {  	s3 =	sld [smem:$0x3FB1]  }
0x31: {  	[smem:$0x3FBA] =	sst s10  }
0x32: {  	s10 =	sld [smem:$0x3FB8];
	_ =	sdelay $0x3  }
0x33: {  	p0 =	seq.s32 s10, $0x1;
	s10 =	sld [smem:$0x3FBA];
	_ =	sdelay $0x3  }
0x34: {  	[smem:$0x3FBA] =	sst s10  }
0x35: {  	s10 =	sld [smem:$0x3FB9];
	_ =	sdelay $0x3  }
0x36: {  	p1 =	seq.s32 s10, $0x1;
	s10 =	sld [smem:$0x3FBA];
	_ =	sdelay $0x3  }
0x37: {  	[smem:$0x3FBA] =	sst s10  }
0x38: {  	s10 =	sld [smem:$0x3FBB]  }
0x39: {  	_ = 	snop;
	(pc) =	sbr.ind lr, $3  }
0x3a: {  	_ = 	snop  }
0x3b: {  	_ = 	snop  }
0x3c: {  	p2 =	seq.s32 s10, $0x1;
	s10 =	sld [smem:$0x3FBA]  }
0x3d: {  	_ =	shalt  }
0x3e: {  	_ =	shalt  }
0x3f: {  	_ =	shalt  }
0x40: {  	_ =	shalt  }
0x41: {  	_ =	shalt  }
0x42: {  	_ =	shalt  }
0x43: {  	_ =	shalt  }
0x44: {  	_ =	shalt  }
0x45: {  	_ =	shalt  }
0x46: {  	_ =	shalt  }
0x47: {  	_ =	shalt  }
0x48: {  	_ =	shalt  }
0x49: {  	_ =	shalt  }
0x4a: {  	_ =	shalt  }
0x4b: {  	_ =	shalt  }
0x4c: {  	_ =	shalt  }
0x4d: {  	_ =	shalt  }
0x4e: {  	_ =	shalt  }
0x4f: {  	_ =	shalt  }
0x50: {  	_ =	shalt  }
0x51: {  	_ =	shalt  }
0x52: {  	_ =	shalt  }
0x53: {  	_ =	shalt  }
0x54: {  	_ =	shalt  }
0x55: {  	_ =	shalt  }
0x56: {  	_ =	shalt  }
0x57: {  	_ =	shalt  }
0x58: {  	_ =	shalt  }
0x59: {  	_ =	shalt  }
0x5a: {  	_ =	shalt  }
0x5b: {  	_ =	shalt  }
0x5c: {  	_ =	shalt  }
0x5d: {  	_ =	shalt  }
0x5e: {  	_ =	shalt  }
0x5f: {  	_ =	shalt  }
0x60: {  	_ =	shalt  }
0x61: {  	_ =	shalt  }
0x62: {  	_ =	shalt  }
0x63: {  	_ =	shalt  }
0x64: {  	_ =	shalt  }
0x65: {  	_ =	shalt  }
0x66: {  	_ =	shalt  }
0x67: {  	_ =	shalt  }
0x68: {  	_ =	shalt  }
0x69: {  	_ =	shalt  }
0x6a: {  	_ =	shalt  }
0x6b: {  	_ =	shalt  }
0x6c: {  	_ =	shalt  }
0x6d: {  	_ =	shalt  }
0x6e: {  	_ =	shalt  }
0x6f: {  	_ =	shalt  }
0x70: {  	_ =	shalt  }
0x71: {  	_ =	shalt  }
0x72: {  	_ =	shalt  }
0x73: {  	_ =	shalt  }
0x74: {  	_ =	shalt  }
0x75: {  	_ =	shalt  }
0x76: {  	_ =	shalt  }
0x77: {  	_ =	shalt  }
0x78: {  	_ =	shalt  }
0x79: {  	_ =	shalt  }
0x7a: {  	_ =	shalt  }
0x7b: {  	_ =	shalt  }
0x7c: {  	_ =	shalt  }
0x7d: {  	_ =	shalt  }
0x7e: {  	_ =	shalt  }
0x7f: {  	_ =	shalt  }
0x80: {  	_ =	shalt  }
0x81: {  	_ =	shalt  }
0x82: {  	_ =	shalt  }
0x83: {  	_ =	shalt  }
0x84: {  	_ =	shalt  }
0x85: {  	_ =	shalt  }
0x86: {  	_ =	shalt  }
0x87: {  	_ =	shalt  }
.Lfunc_end0:
.L_simem_size_0:
called_computation_lowered:
.L_overlay_start_0:
0x88: {  	s2 =	sld [smem:$0x3FD9]  }
0x89: {  	s3 =	sld [smem:$0x3FFE];
	_ =	sdelay $0x1  }
0x8a: {  	s1 =	srdreg.scid  }
0x8b: {  	s0 =	sand.u32 $0x1, s1  }
0x8c: {  	s17 =	sshll.u32 s0, $0xA;
	s2 =	sadd.s32 s3, s2  }
0x8d: {  	s2 =	sadd.s32 s2, s17  }
0x8e: {  	[smem:$0x3FC6] =	sst s2  }
0x8f: {  	_ = 	snop  }
0x90: {  	s2 =	sld [smem:$0x3FC8]  }
0x91: {  	s18 =	sld [smem:$0x3FD0];
	(tm) =	ssettm $0x1  }
0x92: {  	s4 =	sld [smem:$0x3FFB];
	_ =	sdelay $0x3  }
0x93: {  	_ =	strace s4  }
0x94: {  	s4 =	sld [smem:$0x3FFC];
	_ =	sdelay $0x3  }
0x95: {  	_ =	strace s4  }
0x96: {  	s4 =	sld [smem:$0x3FFD];
	_ =	sdelay $0x3  }
0x97: {  	_ =	strace s4  }
0x98: {  	_ =	strace $0x8FFFFFFF  }
0x99: {  	s19 =	sld [smem:$0x3FDB];
	_ =	sdelay $0x1  }
0x9a: {  	s5 =	simm.s32 $_scs_section_size  }
0x9b: {  	s6 =	simm.s32 $_size__tile_overlayer_lowered;
	s7 =	simm.s32 $_tile_overlayer_lowered  }
0x9c: {  	s22 =	simm.s32 $0x1BFF;
	s21 =	sshll.u32 s7, $0x1;
	s4 =	sadd.s32 s5, s19  }
0x9d: {  	s8 =	simm.s32 $0x0;
	s20 =	sshll.u32 s6, $0x1;
	s6 =	sadd.s32 s21, s4  }
0x9e: {  	[timem:s8], [sflag:s22] =	dma.local [hbm:s6], s20  }
0x9f: {  	_ =	swait.ge [sflag:s22], s20  }
0xa0: {  	s5 =	ssub.s32 $0x0, s20;
	[sflag:s22] =	ssyncset.done $0x0  }
0xa1: {  	[sflag:s22] =	ssyncadd.s32 s5;
	_ =	sdelay $0x1  }
0xa2: {  	s23 =	simm.s32 $0x1B8B  }
0xa3: {  	_ =	swait.ge [sflag:s23], $0x1  }
0xa4: {  	[sflag:s23] =	ssyncset.done $0x0  }
0xa5: {  	s25 =	simm.s32 $0x1B8E;
	s24 =	sld [smem:$0x3FFE];
	[sflag:s23] =	ssyncadd.s32 $0xFFFFFFFF  }
0xa6: {  	s26 =	simm.s32 $execute0_lowered;
	[smem:$0x3FD2] =	sst s25  }
0xa7: {  	s6 =	sshll.u32 s26, $0x1;
	_ =	strace $0x80000046;
	[dreg:$0x1] =	wrdreg $0xFFFFFFFF  }
0xa8: {  	s28 =	simm.s32 $_size_execute0_lowered;
	s4 =	sadd.s32 s4, s6;
	[dreg:$0x0] =	wrdreg $0x0  }
0xa9: {  	s6 =	sshll.u32 s28, $0x1;
	[dreg:$0x2] =	wrdreg s4  }
0xaa: {  	[dreg:$0x3] =	wrdreg s6  }
0xab: {  	[dreg:$0x4] =	wrdreg $0xC0  }
0xac: {  	_ =	task [dreg:s8], $0x5FFFF  }
0xad: {  	[dreg:$0x1] =	wrdreg $0xFFFFFFFF  }
0xae: {  	[dreg:$0x0] =	wrdreg $0x60  }
0xaf: {  	[dreg:$0x2] =	wrdreg s24  }
0xb0: {  	[dreg:$0x3] =	wrdreg s2  }
0xb1: {  	[dreg:$0x4] =	wrdreg s18  }
0xb2: {  	[dreg:$0x5] =	wrdreg $0x9  }
0xb3: {  	_ =	task.clear_ibuf [dreg:s8], $0x6FFFF;
	_ =	strace $0x90000046  }
0xb4: {  	s29 =	simm.s32 $0x9;
	_ =	strace $0x80000048  }
0xb5: {  	_ =	swait.ge [sflag:s29], $0x1  }
0xb6: {  	[sflag:s29] =	ssyncadd.s32 $0xFFFFFFFF  }
0xb7: {  	_ =	strace $0x90000048  }
0xb8: {  	_ =	sfence  }
0xb9: {  	s30 =	sld [smem:$0x0];
	_ =	sdelay $0x2  }
0xba: {  	s31 =	sshll.u32 s1, $0xD;
	s1 =	sshrl.u32 s1, $0x2  }
0xbb: {  	s3 =	sand.u32 $0x4000, s31;
	s1 =	sadd.s32 s1, s30  }
0xbc: {  	s0 =	sor.u32 s3, s0;
	s1 =	sshll.u32 s1, $0x11  }
0xbd: {  	s0 =	sor.u32 s1, s0  }
0xbe: {  	s0 =	sadd.s32 $0x8F2B, s0  }
0xbf: {  	[sflag:s0] =	ssyncadd.remote.s32 $0x1  }
0xc0: {  	_ =	sfence.sel $0xFFFF  }
0xc1: {  	[dreg:$0x0] =	wrdreg $0xFFFFFFFF;
	(pc) =	sbr.abs _section_cstart, $3  }
0xc2: {  	[dreg:$0x1] =	wrdreg $0xFFFFFFFF  }
0xc3: {  	_ =	task.clear_ibuf [dreg:s8], $0x2FFFF;
	_ =	strace $0x9FFFFFFF  }
0xc4: {  	(tm) =	ssettm $0x7FFFFFFF  }
0xc5: {  	_ =	shalt  }
tec
execute0_lowered:
.L_overlay_start_1:
0x0: {  	(tag) =	ssettag $0x1  }
0x1: {  	v0 =	vimm.s32 $0xB80  }
0x2: {  	vm14 =	vcmask $0x300;
	vm13 =	vcmask $0x704;
	vm12 =	vcmask $0xB08  }
0x3: {  	vm11 =	vcmask $0xF0C;
	vm10 =	vcmask $0x1310;
	vm9 =	vcmask $0x1714  }
0x4: {  	vm8 =	vcmask $0x1B18;
	vm7 =	vcmask $0x1F1C;
	vm6 =	vcmask $0x2320  }
0x5: {  	vm5 =	vcmask $0x2724;
	vm4 =	vcmask $0x2B28;
	vm3 =	vcmask $0x2F2C  }
0x6: {  	vm2 =	vcmask $0x3330;
	vm1 =	vcmask $0x3734;
	vm0 =	vcmask $0x3B38  }
0x7: {  	v1 =	vimm.s32 $0x1B80;
	v2 =	vimm.s32 $0x2B80;
	v3 =	vimm.s32 $0x3B80  }
0x8: {  	v4 =	vimm.s32 $0x4B80;
	v5 =	vimm.s32 $0x5B80;
	v6 =	vimm.s32 $0x6B80  }
0x9: {  	v7 =	vimm.s32 $0x7B80;
	v8 =	vimm.s32 $0x8B80;
	v9 =	vimm.s32 $0x9B80  }
0xa: {  	v10 =	vimm.s32 $0xAB80;
	v11 =	vimm.s32 $0xBB80;
	v12 =	vimm.s32 $0xCB80  }
0xb: {  	v13 =	vimm.s32 $0xDB80;
	v14 =	vimm.s32 $0xEB80;
	v15 =	vimm.s32 $0xFB80  }
0xc: {  	v0 =	vsel vm14, $0x0, v0;
	v1 =	vsel vm14, $0x1000, v1;
	v2 =	vsel vm14, $0x2000, v2  }
0xd: {  	v3 =	vsel vm14, $0x3000, v3;
	v4 =	vsel vm14, $0x4000, v4;
	v5 =	vsel vm14, $0x5000, v5  }
0xe: {  	v6 =	vsel vm14, $0x6000, v6;
	v7 =	vsel vm14, $0x7000, v7;
	v8 =	vsel vm14, $0x8000, v8  }
0xf: {  	v9 =	vsel vm14, $0x9000, v9;
	v10 =	vsel vm14, $0xA000, v10;
	v11 =	vsel vm14, $0xB000, v11  }
0x10: {  	v12 =	vsel vm14, $0xC000, v12;
	v13 =	vsel vm14, $0xD000, v13;
	v14 =	vsel vm14, $0xE000, v14  }
0x11: {  	v15 =	vsel vm14, $0xF000, v15;
	v0 =	vsel vm13, $0x80, v0;
	v1 =	vsel vm13, $0x1080, v1  }
0x12: {  	v2 =	vsel vm13, $0x2080, v2;
	v3 =	vsel vm13, $0x3080, v3;
	v4 =	vsel vm13, $0x4080, v4  }
0x13: {  	v5 =	vsel vm13, $0x5080, v5;
	v6 =	vsel vm13, $0x6080, v6;
	v7 =	vsel vm13, $0x7080, v7  }
0x14: {  	v8 =	vsel vm13, $0x8080, v8;
	v9 =	vsel vm13, $0x9080, v9;
	v10 =	vsel vm13, $0xA080, v10  }
0x15: {  	v11 =	vsel vm13, $0xB080, v11;
	v12 =	vsel vm13, $0xC080, v12;
	v13 =	vsel vm13, $0xD080, v13  }
0x16: {  	v14 =	vsel vm13, $0xE080, v14;
	v15 =	vsel vm13, $0xF080, v15;
	v0 =	vsel vm12, $0x100, v0  }
0x17: {  	v1 =	vsel vm12, $0x1100, v1;
	v2 =	vsel vm12, $0x2100, v2;
	v3 =	vsel vm12, $0x3100, v3  }
0x18: {  	v4 =	vsel vm12, $0x4100, v4;
	v5 =	vsel vm12, $0x5100, v5;
	v6 =	vsel vm12, $0x6100, v6  }
0x19: {  	v7 =	vsel vm12, $0x7100, v7;
	v8 =	vsel vm12, $0x8100, v8;
	v9 =	vsel vm12, $0x9100, v9  }
0x1a: {  	v10 =	vsel vm12, $0xA100, v10;
	v11 =	vsel vm12, $0xB100, v11;
	v12 =	vsel vm12, $0xC100, v12  }
0x1b: {  	v13 =	vsel vm12, $0xD100, v13;
	v14 =	vsel vm12, $0xE100, v14;
	v15 =	vsel vm12, $0xF100, v15  }
0x1c: {  	v0 =	vsel vm11, $0x180, v0;
	v1 =	vsel vm11, $0x1180, v1;
	v2 =	vsel vm11, $0x2180, v2  }
0x1d: {  	v3 =	vsel vm11, $0x3180, v3;
	v4 =	vsel vm11, $0x4180, v4;
	v5 =	vsel vm11, $0x5180, v5  }
0x1e: {  	v6 =	vsel vm11, $0x6180, v6;
	v7 =	vsel vm11, $0x7180, v7;
	v8 =	vsel vm11, $0x8180, v8  }
0x1f: {  	v9 =	vsel vm11, $0x9180, v9;
	v10 =	vsel vm11, $0xA180, v10;
	v11 =	vsel vm11, $0xB180, v11  }
0x20: {  	v12 =	vsel vm11, $0xC180, v12;
	v13 =	vsel vm11, $0xD180, v13;
	v14 =	vsel vm11, $0xE180, v14  }
0x21: {  	v15 =	vsel vm11, $0xF180, v15;
	v0 =	vsel vm10, $0x200, v0;
	v1 =	vsel vm10, $0x1200, v1  }
0x22: {  	v2 =	vsel vm10, $0x2200, v2;
	v3 =	vsel vm10, $0x3200, v3;
	v4 =	vsel vm10, $0x4200, v4  }
0x23: {  	v5 =	vsel vm10, $0x5200, v5;
	v6 =	vsel vm10, $0x6200, v6;
	v7 =	vsel vm10, $0x7200, v7  }
0x24: {  	v8 =	vsel vm10, $0x8200, v8;
	v9 =	vsel vm10, $0x9200, v9;
	v10 =	vsel vm10, $0xA200, v10  }
0x25: {  	v11 =	vsel vm10, $0xB200, v11;
	v12 =	vsel vm10, $0xC200, v12;
	v13 =	vsel vm10, $0xD200, v13  }
0x26: {  	v14 =	vsel vm10, $0xE200, v14;
	v15 =	vsel vm10, $0xF200, v15;
	v0 =	vsel vm9, $0x280, v0  }
0x27: {  	v1 =	vsel vm9, $0x1280, v1;
	v2 =	vsel vm9, $0x2280, v2;
	v3 =	vsel vm9, $0x3280, v3  }
0x28: {  	v4 =	vsel vm9, $0x4280, v4;
	v5 =	vsel vm9, $0x5280, v5;
	v6 =	vsel vm9, $0x6280, v6  }
0x29: {  	v7 =	vsel vm9, $0x7280, v7;
	v8 =	vsel vm9, $0x8280, v8;
	v9 =	vsel vm9, $0x9280, v9  }
0x2a: {  	v10 =	vsel vm9, $0xA280, v10;
	v11 =	vsel vm9, $0xB280, v11;
	v12 =	vsel vm9, $0xC280, v12  }
0x2b: {  	v13 =	vsel vm9, $0xD280, v13;
	v14 =	vsel vm9, $0xE280, v14;
	v15 =	vsel vm9, $0xF280, v15  }
0x2c: {  	v0 =	vsel vm8, $0x300, v0;
	v1 =	vsel vm8, $0x1300, v1;
	v2 =	vsel vm8, $0x2300, v2  }
0x2d: {  	v3 =	vsel vm8, $0x3300, v3;
	v4 =	vsel vm8, $0x4300, v4;
	v5 =	vsel vm8, $0x5300, v5  }
0x2e: {  	v6 =	vsel vm8, $0x6300, v6;
	v7 =	vsel vm8, $0x7300, v7;
	v8 =	vsel vm8, $0x8300, v8  }
0x2f: {  	v9 =	vsel vm8, $0x9300, v9;
	v10 =	vsel vm8, $0xA300, v10;
	v11 =	vsel vm8, $0xB300, v11  }
0x30: {  	v12 =	vsel vm8, $0xC300, v12;
	v13 =	vsel vm8, $0xD300, v13;
	v14 =	vsel vm8, $0xE300, v14  }
0x31: {  	v15 =	vsel vm8, $0xF300, v15;
	v0 =	vsel vm7, $0x380, v0;
	v1 =	vsel vm7, $0x1380, v1  }
0x32: {  	v2 =	vsel vm7, $0x2380, v2;
	v3 =	vsel vm7, $0x3380, v3;
	v4 =	vsel vm7, $0x4380, v4  }
0x33: {  	v5 =	vsel vm7, $0x5380, v5;
	v6 =	vsel vm7, $0x6380, v6;
	v7 =	vsel vm7, $0x7380, v7  }
0x34: {  	v8 =	vsel vm7, $0x8380, v8;
	v9 =	vsel vm7, $0x9380, v9;
	v10 =	vsel vm7, $0xA380, v10  }
0x35: {  	v11 =	vsel vm7, $0xB380, v11;
	v12 =	vsel vm7, $0xC380, v12;
	v13 =	vsel vm7, $0xD380, v13  }
0x36: {  	v14 =	vsel vm7, $0xE380, v14;
	v15 =	vsel vm7, $0xF380, v15;
	v0 =	vsel vm6, $0x800, v0  }
0x37: {  	v1 =	vsel vm6, $0x1800, v1;
	v2 =	vsel vm6, $0x2800, v2;
	v3 =	vsel vm6, $0x3800, v3  }
0x38: {  	v4 =	vsel vm6, $0x4800, v4;
	v5 =	vsel vm6, $0x5800, v5;
	v6 =	vsel vm6, $0x6800, v6  }
0x39: {  	v7 =	vsel vm6, $0x7800, v7;
	v8 =	vsel vm6, $0x8800, v8;
	v9 =	vsel vm6, $0x9800, v9  }
0x3a: {  	v10 =	vsel vm6, $0xA800, v10;
	v11 =	vsel vm6, $0xB800, v11;
	v12 =	vsel vm6, $0xC800, v12  }
0x3b: {  	v13 =	vsel vm6, $0xD800, v13;
	v14 =	vsel vm6, $0xE800, v14;
	v15 =	vsel vm6, $0xF800, v15  }
0x3c: {  	v0 =	vsel vm5, $0x880, v0;
	v1 =	vsel vm5, $0x1880, v1;
	v2 =	vsel vm5, $0x2880, v2  }
0x3d: {  	v3 =	vsel vm5, $0x3880, v3;
	v4 =	vsel vm5, $0x4880, v4;
	v5 =	vsel vm5, $0x5880, v5  }
0x3e: {  	v6 =	vsel vm5, $0x6880, v6;
	v7 =	vsel vm5, $0x7880, v7;
	v8 =	vsel vm5, $0x8880, v8  }
0x3f: {  	v9 =	vsel vm5, $0x9880, v9;
	v10 =	vsel vm5, $0xA880, v10;
	v11 =	vsel vm5, $0xB880, v11  }
0x40: {  	v12 =	vsel vm5, $0xC880, v12;
	v13 =	vsel vm5, $0xD880, v13;
	v14 =	vsel vm5, $0xE880, v14  }
0x41: {  	v15 =	vsel vm5, $0xF880, v15;
	v0 =	vsel vm4, $0x900, v0;
	v1 =	vsel vm4, $0x1900, v1  }
0x42: {  	v2 =	vsel vm4, $0x2900, v2;
	v3 =	vsel vm4, $0x3900, v3;
	v4 =	vsel vm4, $0x4900, v4  }
0x43: {  	v5 =	vsel vm4, $0x5900, v5;
	v6 =	vsel vm4, $0x6900, v6;
	v7 =	vsel vm4, $0x7900, v7  }
0x44: {  	v8 =	vsel vm4, $0x8900, v8;
	v9 =	vsel vm4, $0x9900, v9;
	v10 =	vsel vm4, $0xA900, v10  }
0x45: {  	v11 =	vsel vm4, $0xB900, v11;
	v12 =	vsel vm4, $0xC900, v12;
	v13 =	vsel vm4, $0xD900, v13  }
0x46: {  	v14 =	vsel vm4, $0xE900, v14;
	v15 =	vsel vm4, $0xF900, v15;
	v0 =	vsel vm3, $0x980, v0  }
0x47: {  	v1 =	vsel vm3, $0x1980, v1;
	v2 =	vsel vm3, $0x2980, v2;
	v3 =	vsel vm3, $0x3980, v3  }
0x48: {  	v4 =	vsel vm3, $0x4980, v4;
	v5 =	vsel vm3, $0x5980, v5;
	v6 =	vsel vm3, $0x6980, v6  }
0x49: {  	v7 =	vsel vm3, $0x7980, v7;
	v8 =	vsel vm3, $0x8980, v8;
	v9 =	vsel vm3, $0x9980, v9  }
0x4a: {  	v10 =	vsel vm3, $0xA980, v10;
	v11 =	vsel vm3, $0xB980, v11;
	v12 =	vsel vm3, $0xC980, v12  }
0x4b: {  	v13 =	vsel vm3, $0xD980, v13;
	v14 =	vsel vm3, $0xE980, v14;
	v15 =	vsel vm3, $0xF980, v15  }
0x4c: {  	v0 =	vsel vm2, $0xA00, v0;
	v1 =	vsel vm2, $0x1A00, v1;
	v2 =	vsel vm2, $0x2A00, v2  }
0x4d: {  	v3 =	vsel vm2, $0x3A00, v3;
	v4 =	vsel vm2, $0x4A00, v4;
	v5 =	vsel vm2, $0x5A00, v5  }
0x4e: {  	v6 =	vsel vm2, $0x6A00, v6;
	v7 =	vsel vm2, $0x7A00, v7;
	v8 =	vsel vm2, $0x8A00, v8  }
0x4f: {  	v9 =	vsel vm2, $0x9A00, v9;
	v10 =	vsel vm2, $0xAA00, v10;
	v11 =	vsel vm2, $0xBA00, v11  }
0x50: {  	v12 =	vsel vm2, $0xCA00, v12;
	v13 =	vsel vm2, $0xDA00, v13;
	v14 =	vsel vm2, $0xEA00, v14  }
0x51: {  	v15 =	vsel vm2, $0xFA00, v15;
	v0 =	vsel vm1, $0xA80, v0;
	v1 =	vsel vm1, $0x1A80, v1  }
0x52: {  	s5 =	rddreg [dreg:$0x0];
	v2 =	vsel vm1, $0x2A80, v2;
	v3 =	vsel vm1, $0x3A80, v3;
	v4 =	vsel vm1, $0x4A80, v4  }
0x53: {  	s0 =	rddreg [dreg:$0x1];
	v5 =	vsel vm1, $0x5A80, v5;
	v6 =	vsel vm1, $0x6A80, v6;
	v7 =	vsel vm1, $0x7A80, v7  }
0x54: {  	s2 =	rddreg [dreg:$0x2];
	v8 =	vsel vm1, $0x8A80, v8;
	v9 =	vsel vm1, $0x9A80, v9;
	v10 =	vsel vm1, $0xAA80, v10  }
0x55: {  	s3 =	srdreg.scid;
	s1 =	rddreg [dreg:$0x3];
	s4 =	simm.s32 $0x0;
	v11 =	vsel vm1, $0xBA80, v11;
	v12 =	vsel vm1, $0xCA80, v12;
	v13 =	vsel vm1, $0xDA80, v13  }
0x56: {  	s10 =	simm.s32 $0x1800;
	s11 =	simm.s32 $0x10000;
	s12 =	simm.s32 $0x18000;
	v14 =	vsel vm1, $0xEA80, v14;
	v15 =	vsel vm1, $0xFA80, v15;
	v0 =	vsel vm0, $0xB00, v0  }
0x57: {  	s13 =	simm.s32 $0x0;
	s6 =	sand.u32 $0x1, s3;
	s3 =	stileid.u32;
	v1 =	vsel vm0, $0x1B00, v1;
	v2 =	vsel vm0, $0x2B00, v2;
	v3 =	vsel vm0, $0x3B00, v3  }
0x58: {  	[smem:$0x7FF] =	sst s4;
	s5 =	sadd.s32 $0x400, s5;
	s7 =	ssub.s32 $0x2, s6;
	v4 =	vsel vm0, $0x4B00, v4;
	v5 =	vsel vm0, $0x5B00, v5;
	v6 =	vsel vm0, $0x6B00, v6  }
0x59: {  	s9 =	sshll.u32 s3, $0x1;
	_ =	strace $0x80000047;
	s8 =	sshrl.u32 s7, $0x1;
	v7 =	vsel vm0, $0x7B00, v7;
	v8 =	vsel vm0, $0x8B00, v8;
	v9 =	vsel vm0, $0x9B00, v9  }
0x5a: {  	s6 =	sor.u32 s6, s9;
	s9 =	simm.s32 $0x800;
	s7 =	ssub.s32 s7, s8;
	v10 =	vsel vm0, $0xAB00, v10;
	v11 =	vsel vm0, $0xBB00, v11;
	v12 =	vsel vm0, $0xCB00, v12  }
0x5b: {  	s6 =	smul.u32 $0xC0000, s6;
	s8 =	simm.s32 $0x1;
	s7 =	smax.u32 s7, $0x1;
	v13 =	vsel vm0, $0xDB00, v13;
	v14 =	vsel vm0, $0xEB00, v14;
	v15 =	vsel vm0, $0xFB00, v15  }
.LBB2_1:
0x5c: {  	s14 =	simm.s32 $0x0  }
.LBB2_2:
0x5d: {  	s15 =	smul.u32 $0xAB, s14;
	_ =	sdelay $0x1  }
0x5e: {  	s15 =	sshrl.u32 s15, $0x9  }
0x5f: {  	s16 =	sand.u32 $0x7F, s15  }
0x60: {  	s15 =	smul.u32 $0x3, s16;
	_ =	sdelay $0x1  }
0x61: {  	s15 =	ssub.s32 s14, s15  }
0x62: {  	s15 =	sand.u32 $0xFF, s15  }
0x63: {  	s15 =	sshll.u32 s15, $0x8  }
0x64: {  	s17 =	sor.u32 s16, s15  }
0x65: {  	s17 =	sshll.u32 s17, $0xA  }
0x66: {  	s17 =	sadd.s32 s6, s17  }
0x67: {  	s17 =	sshrl.u32 s17, $0x3  }
0x68: {  	s18 =	simm.s32 $0x0;
	s17 =	sadd.s32 s5, s17  }
0x69: {  	s19 =	simm.s32 $0x400;
	s20 =	simm.s32 $0x800;
	s21 =	sadd.s32 $0x0, s17  }
.LBB2_3:
0x6a: {  	[tilespmem:s18], [sflag:$0x1] =	stream.linear.gather [hbm4b:s21+s4], $0x400, $0x38;
	v63 =	vld [tilespmem:$0x0]  }
0x6b: {  	s21 =	smov.u32 s19;
	s18 =	smov.u32 s20;
	p0 =	sne.s32 s19, $0x7C00  }
.Ltmp0:
0x6c: {  	s19 =	sadd.s32 $0x400, s19;
	(pc) =	sbr.rel @p0 .LBB2_3-.Ltmp0, $2  }
0x6d: {  	_ =	sdelay $0x2  }
0x6e: {  	s20 =	sadd.s32 $0x800, s20;
	s21 =	sadd.s32 s21, s17  }
0x6f: {  	[tilespmem:s18], [sflag:$0x1] =	stream.linear.gather [hbm4b:s21+s4], $0x400, $0x38;
	v63 =	vld [tilespmem:$0x0]  }
0x70: {  	s16 =	smul.u32 $0x18000, s16  }
0x71: {  	s19 =	sadd.s32 s0, s15;
	_ =	swait.ge [sflag:s8], $0x8000  }
0x72: {  	s17 =	simm.s32 $0x0;
	[sflag:s8] =	ssyncset.done $0x0;
	s29 =	sshrl.u32 s16, $0x3  }
0x73: {  	v16 =	vor.u32 s17, v0;
	[sflag:s8] =	ssyncadd.s32 $0xFFFF8000;
	s18 =	sadd.s32 s29, s19  }
0x74: {  	[tilespmem:s11], [sflag:$0x1] =	stream.strided.gather [hbm4b:s18+s9], $0x8000, s10, s9, $0x38;
	v63 =	vld [tilespmem:$0x0]  }
0x75: {  	_ =	swait.ge [sflag:s8], $0x8000  }
0x76: {  	[sflag:s8] =	ssyncset.done $0x0  }
0x77: {  	s30 =	sand.u32 $0x7800, s17;
	s31 =	sand.u32 $0x380, s17;
	[sflag:s8] =	ssyncadd.s32 $0xFFFF8000  }
0x78: {  	s19 =	sor.u32 s31, s30;
	v16 =	vld.idx.msk [tilespmem:v16+s4+$0x0], $0xffff  }
0x79: {  	v17 =	vld [tilespmem:s19+$0x10000];
	_ =	sdelay $0x2  }
0x7a: {  	v18 =	vor.u32 s17, v1;
	_ =	sdelay $0x1  }
0x7b: {  	v16 =	vadd.f32 v17, v16;
	_ =	sdelay $0x1  }
0x7c: {  	v17 =	vld [tilespmem:s19+$0x10010];
	[tilespmem:s19+$0x18000] =	vst v16  }
0x7d: {  	v16 =	vld.idx.msk [tilespmem:v18+s4+$0x0], $0xffff;
	_ =	sdelay $0x2  }
0x7e: {  	v18 =	vor.u32 s17, v2;
	_ =	sdelay $0x1  }
0x7f: {  	v16 =	vadd.f32 v17, v16;
	_ =	sdelay $0x1  }
0x80: {  	v17 =	vld [tilespmem:s19+$0x10020];
	[tilespmem:s19+$0x18010] =	vst v16  }
0x81: {  	v16 =	vld.idx.msk [tilespmem:v18+s4+$0x0], $0xffff;
	_ =	sdelay $0x2  }
0x82: {  	v18 =	vor.u32 s17, v3;
	_ =	sdelay $0x1  }
0x83: {  	v16 =	vadd.f32 v17, v16;
	_ =	sdelay $0x1  }
0x84: {  	v17 =	vld [tilespmem:s19+$0x10030];
	[tilespmem:s19+$0x18020] =	vst v16  }
0x85: {  	v16 =	vld.idx.msk [tilespmem:v18+s4+$0x0], $0xffff;
	_ =	sdelay $0x2  }
0x86: {  	v18 =	vor.u32 s17, v4;
	_ =	sdelay $0x1  }
0x87: {  	v16 =	vadd.f32 v17, v16;
	_ =	sdelay $0x1  }
0x88: {  	v17 =	vld [tilespmem:s19+$0x10040];
	[tilespmem:s19+$0x18030] =	vst v16  }
0x89: {  	v16 =	vld.idx.msk [tilespmem:v18+s4+$0x0], $0xffff;
	_ =	sdelay $0x2  }
0x8a: {  	v18 =	vor.u32 s17, v5;
	_ =	sdelay $0x1  }
0x8b: {  	v16 =	vadd.f32 v17, v16;
	_ =	sdelay $0x1  }
0x8c: {  	v17 =	vld [tilespmem:s19+$0x10050];
	[tilespmem:s19+$0x18040] =	vst v16  }
0x8d: {  	v16 =	vld.idx.msk [tilespmem:v18+s4+$0x0], $0xffff;
	_ =	sdelay $0x2  }
0x8e: {  	v18 =	vor.u32 s17, v6;
	_ =	sdelay $0x1  }
0x8f: {  	v16 =	vadd.f32 v17, v16;
	_ =	sdelay $0x1  }
0x90: {  	v17 =	vld [tilespmem:s19+$0x10060];
	[tilespmem:s19+$0x18050] =	vst v16  }
0x91: {  	v16 =	vld.idx.msk [tilespmem:v18+s4+$0x0], $0xffff;
	_ =	sdelay $0x2  }
0x92: {  	v18 =	vor.u32 s17, v7;
	_ =	sdelay $0x1  }
0x93: {  	v16 =	vadd.f32 v17, v16;
	_ =	sdelay $0x1  }
0x94: {  	v17 =	vld [tilespmem:s19+$0x10070];
	[tilespmem:s19+$0x18060] =	vst v16  }
0x95: {  	v16 =	vld.idx.msk [tilespmem:v18+s4+$0x0], $0xffff;
	_ =	sdelay $0x2  }
0x96: {  	v18 =	vor.u32 s17, v8;
	_ =	sdelay $0x1  }
0x97: {  	v16 =	vadd.f32 v17, v16;
	_ =	sdelay $0x1  }
0x98: {  	v17 =	vld [tilespmem:s19+$0x10400];
	[tilespmem:s19+$0x18070] =	vst v16  }
0x99: {  	v16 =	vld.idx.msk [tilespmem:v18+s4+$0x0], $0xffff;
	_ =	sdelay $0x2  }
0x9a: {  	v18 =	vor.u32 s17, v9;
	_ =	sdelay $0x1  }
0x9b: {  	v16 =	vadd.f32 v17, v16;
	_ =	sdelay $0x1  }
0x9c: {  	v17 =	vld [tilespmem:s19+$0x10410];
	[tilespmem:s19+$0x18400] =	vst v16  }
0x9d: {  	v16 =	vld.idx.msk [tilespmem:v18+s4+$0x0], $0xffff;
	_ =	sdelay $0x2  }
0x9e: {  	v18 =	vor.u32 s17, v10;
	_ =	sdelay $0x1  }
0x9f: {  	v16 =	vadd.f32 v17, v16;
	_ =	sdelay $0x1  }
0xa0: {  	v17 =	vld [tilespmem:s19+$0x10420];
	[tilespmem:s19+$0x18410] =	vst v16  }
0xa1: {  	v16 =	vld.idx.msk [tilespmem:v18+s4+$0x0], $0xffff;
	_ =	sdelay $0x2  }
0xa2: {  	v18 =	vor.u32 s17, v11;
	_ =	sdelay $0x1  }
0xa3: {  	v16 =	vadd.f32 v17, v16;
	_ =	sdelay $0x1  }
0xa4: {  	v17 =	vld [tilespmem:s19+$0x10430];
	[tilespmem:s19+$0x18420] =	vst v16  }
0xa5: {  	v16 =	vld.idx.msk [tilespmem:v18+s4+$0x0], $0xffff;
	_ =	sdelay $0x2  }
0xa6: {  	v18 =	vor.u32 s17, v12;
	_ =	sdelay $0x1  }
0xa7: {  	v16 =	vadd.f32 v17, v16;
	_ =	sdelay $0x1  }
0xa8: {  	v17 =	vld [tilespmem:s19+$0x10440];
	[tilespmem:s19+$0x18430] =	vst v16  }
0xa9: {  	v16 =	vld.idx.msk [tilespmem:v18+s4+$0x0], $0xffff;
	_ =	sdelay $0x2  }
0xaa: {  	v18 =	vor.u32 s17, v13;
	_ =	sdelay $0x1  }
0xab: {  	v16 =	vadd.f32 v17, v16;
	_ =	sdelay $0x1  }
0xac: {  	v17 =	vld [tilespmem:s19+$0x10450];
	[tilespmem:s19+$0x18440] =	vst v16  }
0xad: {  	v16 =	vld.idx.msk [tilespmem:v18+s4+$0x0], $0xffff;
	_ =	sdelay $0x2  }
0xae: {  	v18 =	vor.u32 s17, v14;
	_ =	sdelay $0x1  }
0xaf: {  	v16 =	vadd.f32 v17, v16;
	_ =	sdelay $0x1  }
0xb0: {  	v17 =	vld [tilespmem:s19+$0x10460];
	[tilespmem:s19+$0x18450] =	vst v16  }
0xb1: {  	v16 =	vld.idx.msk [tilespmem:v18+s4+$0x0], $0xffff;
	_ =	sdelay $0x2  }
0xb2: {  	v18 =	vor.u32 s17, v15;
	_ =	sdelay $0x1  }
0xb3: {  	v16 =	vadd.f32 v17, v16;
	_ =	sdelay $0x1  }
0xb4: {  	[tilespmem:s19+$0x18460] =	vst v16  }
0xb5: {  	v17 =	vld.idx.msk [tilespmem:v18+s4+$0x0], $0xffff  }
0xb6: {  	v18 =	vld [tilespmem:s19+$0x10470];
	_ =	sdelay $0x1  }
0xb7: {  	s18 =	simm.s32 $0x1  }
0xb8: {  	s21 =	simm.s32 $0x2;
	s20 =	simm.s32 $0x0;
	v16 =	vor.u32 s18, v0  }
.LBB2_5:
0xb9: {  	p0 =	sne.s32 s21, $0x7F  }
0xba: {  	v17 =	vadd.f32 v18, v17  }
0xbb: {  	s17 =	sadd.s32 $0x80, s17;
	s20 =	sadd.s32 $0x100, s20  }
0xbc: {  	s22 =	sand.u32 $0x7800, s20;
	s23 =	sand.u32 $0x380, s17;
	[tilespmem:s19+$0x18470] =	vst v17  }
0xbd: {  	s19 =	sor.u32 s23, s22;
	v16 =	vld.idx.msk [tilespmem:v16+s4+$0x0], $0xffff  }
0xbe: {  	v17 =	vld [tilespmem:s19+$0x10000];
	_ =	sdelay $0x2  }
0xbf: {  	v18 =	vor.u32 s18, v1;
	_ =	sdelay $0x1  }
0xc0: {  	v16 =	vadd.f32 v17, v16;
	_ =	sdelay $0x1  }
0xc1: {  	[tilespmem:s19+$0x18000] =	vst v16  }
0xc2: {  	v16 =	vld.idx.msk [tilespmem:v18+s4+$0x0], $0xffff  }
0xc3: {  	v17 =	vld [tilespmem:s19+$0x10010];
	_ =	sdelay $0x2  }
0xc4: {  	v18 =	vor.u32 s18, v2;
	_ =	sdelay $0x1  }
0xc5: {  	v16 =	vadd.f32 v17, v16;
	_ =	sdelay $0x1  }
0xc6: {  	[tilespmem:s19+$0x18010] =	vst v16  }
0xc7: {  	v16 =	vld.idx.msk [tilespmem:v18+s4+$0x0], $0xffff  }
0xc8: {  	v17 =	vld [tilespmem:s19+$0x10020];
	_ =	sdelay $0x2  }
0xc9: {  	v18 =	vor.u32 s18, v3;
	_ =	sdelay $0x1  }
0xca: {  	v16 =	vadd.f32 v17, v16;
	_ =	sdelay $0x1  }
0xcb: {  	[tilespmem:s19+$0x18020] =	vst v16  }
0xcc: {  	v16 =	vld.idx.msk [tilespmem:v18+s4+$0x0], $0xffff  }
0xcd: {  	v17 =	vld [tilespmem:s19+$0x10030];
	_ =	sdelay $0x2  }
0xce: {  	v18 =	vor.u32 s18, v4;
	_ =	sdelay $0x1  }
0xcf: {  	v16 =	vadd.f32 v17, v16;
	_ =	sdelay $0x1  }
0xd0: {  	[tilespmem:s19+$0x18030] =	vst v16  }
0xd1: {  	v16 =	vld.idx.msk [tilespmem:v18+s4+$0x0], $0xffff  }
0xd2: {  	v17 =	vld [tilespmem:s19+$0x10040];
	_ =	sdelay $0x2  }
0xd3: {  	v18 =	vor.u32 s18, v5;
	_ =	sdelay $0x1  }
0xd4: {  	v16 =	vadd.f32 v17, v16;
	_ =	sdelay $0x1  }
0xd5: {  	[tilespmem:s19+$0x18040] =	vst v16  }
0xd6: {  	v16 =	vld.idx.msk [tilespmem:v18+s4+$0x0], $0xffff  }
0xd7: {  	v17 =	vld [tilespmem:s19+$0x10050];
	_ =	sdelay $0x2  }
0xd8: {  	v18 =	vor.u32 s18, v6;
	_ =	sdelay $0x1  }
0xd9: {  	v16 =	vadd.f32 v17, v16;
	_ =	sdelay $0x1  }
0xda: {  	[tilespmem:s19+$0x18050] =	vst v16  }
0xdb: {  	v16 =	vld.idx.msk [tilespmem:v18+s4+$0x0], $0xffff  }
0xdc: {  	v17 =	vld [tilespmem:s19+$0x10060];
	_ =	sdelay $0x2  }
0xdd: {  	v18 =	vor.u32 s18, v7;
	_ =	sdelay $0x1  }
0xde: {  	v16 =	vadd.f32 v17, v16;
	_ =	sdelay $0x1  }
0xdf: {  	[tilespmem:s19+$0x18060] =	vst v16  }
0xe0: {  	v16 =	vld.idx.msk [tilespmem:v18+s4+$0x0], $0xffff  }
0xe1: {  	v17 =	vld [tilespmem:s19+$0x10070];
	_ =	sdelay $0x2  }
0xe2: {  	v18 =	vor.u32 s18, v8;
	_ =	sdelay $0x1  }
0xe3: {  	v16 =	vadd.f32 v17, v16;
	_ =	sdelay $0x1  }
0xe4: {  	[tilespmem:s19+$0x18070] =	vst v16  }
0xe5: {  	v16 =	vld.idx.msk [tilespmem:v18+s4+$0x0], $0xffff  }
0xe6: {  	v17 =	vld [tilespmem:s19+$0x10400];
	_ =	sdelay $0x2  }
0xe7: {  	v18 =	vor.u32 s18, v9;
	_ =	sdelay $0x1  }
0xe8: {  	v16 =	vadd.f32 v17, v16;
	_ =	sdelay $0x1  }
0xe9: {  	[tilespmem:s19+$0x18400] =	vst v16  }
0xea: {  	v16 =	vld.idx.msk [tilespmem:v18+s4+$0x0], $0xffff  }
0xeb: {  	v17 =	vld [tilespmem:s19+$0x10410];
	_ =	sdelay $0x2  }
0xec: {  	v18 =	vor.u32 s18, v10;
	_ =	sdelay $0x1  }
0xed: {  	v16 =	vadd.f32 v17, v16;
	_ =	sdelay $0x1  }
0xee: {  	[tilespmem:s19+$0x18410] =	vst v16  }
0xef: {  	v16 =	vld.idx.msk [tilespmem:v18+s4+$0x0], $0xffff  }
0xf0: {  	v17 =	vld [tilespmem:s19+$0x10420];
	_ =	sdelay $0x2  }
0xf1: {  	v18 =	vor.u32 s18, v11;
	_ =	sdelay $0x1  }
0xf2: {  	v16 =	vadd.f32 v17, v16;
	_ =	sdelay $0x1  }
0xf3: {  	[tilespmem:s19+$0x18420] =	vst v16  }
0xf4: {  	v16 =	vld.idx.msk [tilespmem:v18+s4+$0x0], $0xffff  }
0xf5: {  	v17 =	vld [tilespmem:s19+$0x10430];
	_ =	sdelay $0x2  }
0xf6: {  	v18 =	vor.u32 s18, v12;
	_ =	sdelay $0x1  }
0xf7: {  	v16 =	vadd.f32 v17, v16;
	_ =	sdelay $0x1  }
0xf8: {  	[tilespmem:s19+$0x18430] =	vst v16  }
0xf9: {  	v16 =	vld.idx.msk [tilespmem:v18+s4+$0x0], $0xffff  }
0xfa: {  	v17 =	vld [tilespmem:s19+$0x10440];
	_ =	sdelay $0x2  }
0xfb: {  	v18 =	vor.u32 s18, v13;
	_ =	sdelay $0x1  }
0xfc: {  	v16 =	vadd.f32 v17, v16;
	_ =	sdelay $0x1  }
0xfd: {  	[tilespmem:s19+$0x18440] =	vst v16  }
0xfe: {  	v16 =	vld.idx.msk [tilespmem:v18+s4+$0x0], $0xffff  }
0xff: {  	v17 =	vld [tilespmem:s19+$0x10450];
	_ =	sdelay $0x2  }
0x100: {  	v18 =	vor.u32 s18, v14;
	_ =	sdelay $0x1  }
0x101: {  	v16 =	vadd.f32 v17, v16;
	_ =	sdelay $0x1  }
0x102: {  	[tilespmem:s19+$0x18450] =	vst v16  }
0x103: {  	v16 =	vld.idx.msk [tilespmem:v18+s4+$0x0], $0xffff  }
0x104: {  	v17 =	vld [tilespmem:s19+$0x10460];
	_ =	sdelay $0x2  }
0x105: {  	v18 =	vor.u32 s18, v15;
	s18 =	smov.u32 s21;
	_ =	sdelay $0x1  }
0x106: {  	v16 =	vadd.f32 v17, v16;
	_ =	sdelay $0x1  }
0x107: {  	[tilespmem:s19+$0x18460] =	vst v16  }
.Ltmp1:
0x108: {  	v17 =	vld.idx.msk [tilespmem:v18+s4+$0x0], $0xffff;
	(pc) =	sbr.rel @p0 .LBB2_5-.Ltmp1, $2  }
0x109: {  	v18 =	vld [tilespmem:s19+$0x10470];
	_ =	sdelay $0x2  }
0x10a: {  	s21 =	sadd.s32 $0x1, s21;
	v16 =	vor.u32 s18, v0  }
0x10b: {  	_ = 	snop  }
0x10c: {  	v17 =	vadd.f32 v18, v17  }
0x10d: {  	s17 =	sadd.s32 $0x80, s17;
	s20 =	sadd.s32 $0x100, s20  }
0x10e: {  	s20 =	sand.u32 $0x7800, s20;
	s17 =	sand.u32 $0x380, s17;
	[tilespmem:s19+$0x18470] =	vst v17  }
0x10f: {  	s17 =	sor.u32 s17, s20;
	v16 =	vld.idx.msk [tilespmem:v16+s4+$0x0], $0xffff  }
0x110: {  	v17 =	vld [tilespmem:s17+$0x10000];
	_ =	sdelay $0x2  }
0x111: {  	v48 =	vor.u32 s18, v1;
	_ =	sdelay $0x1  }
0x112: {  	v16 =	vadd.f32 v17, v16;
	_ =	sdelay $0x1  }
0x113: {  	v17 =	vld [tilespmem:s17+$0x10010];
	[tilespmem:s17+$0x18000] =	vst v16  }
0x114: {  	v16 =	vld.idx.msk [tilespmem:v48+s4+$0x0], $0xffff;
	_ =	sdelay $0x2  }
0x115: {  	v49 =	vor.u32 s18, v2;
	_ =	sdelay $0x1  }
0x116: {  	v16 =	vadd.f32 v17, v16;
	_ =	sdelay $0x1  }
0x117: {  	v17 =	vld [tilespmem:s17+$0x10020];
	[tilespmem:s17+$0x18010] =	vst v16  }
0x118: {  	v16 =	vld.idx.msk [tilespmem:v49+s4+$0x0], $0xffff;
	_ =	sdelay $0x2  }
0x119: {  	v50 =	vor.u32 s18, v3;
	_ =	sdelay $0x1  }
0x11a: {  	v16 =	vadd.f32 v17, v16;
	_ =	sdelay $0x1  }
0x11b: {  	v17 =	vld [tilespmem:s17+$0x10030];
	[tilespmem:s17+$0x18020] =	vst v16  }
0x11c: {  	v16 =	vld.idx.msk [tilespmem:v50+s4+$0x0], $0xffff;
	_ =	sdelay $0x2  }
0x11d: {  	v51 =	vor.u32 s18, v4;
	_ =	sdelay $0x1  }
0x11e: {  	v16 =	vadd.f32 v17, v16;
	_ =	sdelay $0x1  }
0x11f: {  	v17 =	vld [tilespmem:s17+$0x10040];
	[tilespmem:s17+$0x18030] =	vst v16  }
0x120: {  	v16 =	vld.idx.msk [tilespmem:v51+s4+$0x0], $0xffff;
	_ =	sdelay $0x2  }
0x121: {  	v52 =	vor.u32 s18, v5;
	_ =	sdelay $0x1  }
0x122: {  	v16 =	vadd.f32 v17, v16;
	_ =	sdelay $0x1  }
0x123: {  	v17 =	vld [tilespmem:s17+$0x10050];
	[tilespmem:s17+$0x18040] =	vst v16  }
0x124: {  	v16 =	vld.idx.msk [tilespmem:v52+s4+$0x0], $0xffff;
	_ =	sdelay $0x2  }
0x125: {  	v53 =	vor.u32 s18, v6;
	_ =	sdelay $0x1  }
0x126: {  	v16 =	vadd.f32 v17, v16;
	_ =	sdelay $0x1  }
0x127: {  	v17 =	vld [tilespmem:s17+$0x10060];
	[tilespmem:s17+$0x18050] =	vst v16  }
0x128: {  	v16 =	vld.idx.msk [tilespmem:v53+s4+$0x0], $0xffff;
	_ =	sdelay $0x2  }
0x129: {  	v54 =	vor.u32 s18, v7;
	_ =	sdelay $0x1  }
0x12a: {  	v16 =	vadd.f32 v17, v16;
	_ =	sdelay $0x1  }
0x12b: {  	v17 =	vld [tilespmem:s17+$0x10070];
	[tilespmem:s17+$0x18060] =	vst v16  }
0x12c: {  	v16 =	vld.idx.msk [tilespmem:v54+s4+$0x0], $0xffff;
	_ =	sdelay $0x2  }
0x12d: {  	v55 =	vor.u32 s18, v8;
	_ =	sdelay $0x1  }
0x12e: {  	v16 =	vadd.f32 v17, v16;
	_ =	sdelay $0x1  }
0x12f: {  	v17 =	vld [tilespmem:s17+$0x10400];
	[tilespmem:s17+$0x18070] =	vst v16  }
0x130: {  	v16 =	vld.idx.msk [tilespmem:v55+s4+$0x0], $0xffff;
	_ =	sdelay $0x2  }
0x131: {  	v56 =	vor.u32 s18, v9;
	_ =	sdelay $0x1  }
0x132: {  	v16 =	vadd.f32 v17, v16;
	_ =	sdelay $0x1  }
0x133: {  	v17 =	vld [tilespmem:s17+$0x10410];
	[tilespmem:s17+$0x18400] =	vst v16  }
0x134: {  	v16 =	vld.idx.msk [tilespmem:v56+s4+$0x0], $0xffff;
	_ =	sdelay $0x2  }
0x135: {  	v57 =	vor.u32 s18, v10;
	_ =	sdelay $0x1  }
0x136: {  	v16 =	vadd.f32 v17, v16;
	_ =	sdelay $0x1  }
0x137: {  	v17 =	vld [tilespmem:s17+$0x10420];
	[tilespmem:s17+$0x18410] =	vst v16  }
0x138: {  	v16 =	vld.idx.msk [tilespmem:v57+s4+$0x0], $0xffff;
	_ =	sdelay $0x2  }
0x139: {  	v58 =	vor.u32 s18, v11;
	_ =	sdelay $0x1  }
0x13a: {  	v16 =	vadd.f32 v17, v16;
	_ =	sdelay $0x1  }
0x13b: {  	v17 =	vld [tilespmem:s17+$0x10430];
	[tilespmem:s17+$0x18420] =	vst v16  }
0x13c: {  	v16 =	vld.idx.msk [tilespmem:v58+s4+$0x0], $0xffff;
	_ =	sdelay $0x2  }
0x13d: {  	v59 =	vor.u32 s18, v12;
	_ =	sdelay $0x1  }
0x13e: {  	v16 =	vadd.f32 v17, v16;
	_ =	sdelay $0x1  }
0x13f: {  	v17 =	vld [tilespmem:s17+$0x10440];
	[tilespmem:s17+$0x18430] =	vst v16  }
0x140: {  	v16 =	vld.idx.msk [tilespmem:v59+s4+$0x0], $0xffff;
	_ =	sdelay $0x2  }
0x141: {  	v60 =	vor.u32 s18, v13;
	_ =	sdelay $0x1  }
0x142: {  	v16 =	vadd.f32 v17, v16;
	_ =	sdelay $0x1  }
0x143: {  	v17 =	vld [tilespmem:s17+$0x10450];
	[tilespmem:s17+$0x18440] =	vst v16  }
0x144: {  	v16 =	vld.idx.msk [tilespmem:v60+s4+$0x0], $0xffff;
	_ =	sdelay $0x2  }
0x145: {  	v61 =	vor.u32 s18, v14;
	_ =	sdelay $0x1  }
0x146: {  	v16 =	vadd.f32 v17, v16;
	_ =	sdelay $0x1  }
0x147: {  	v17 =	vld [tilespmem:s17+$0x10460];
	[tilespmem:s17+$0x18450] =	vst v16  }
0x148: {  	v16 =	vld.idx.msk [tilespmem:v61+s4+$0x0], $0xffff;
	_ =	sdelay $0x2  }
0x149: {  	v62 =	vor.u32 s18, v15;
	_ =	sdelay $0x1  }
0x14a: {  	v16 =	vadd.f32 v17, v16;
	_ =	sdelay $0x1  }
0x14b: {  	v17 =	vld [tilespmem:s17+$0x10470];
	[tilespmem:s17+$0x18460] =	vst v16  }
0x14c: {  	v16 =	vld.idx.msk [tilespmem:v62+s4+$0x0], $0xffff;
	_ =	sdelay $0x4  }
0x14d: {  	s16 =	sadd.s32 s6, s16;
	s14 =	sadd.s32 $0x1, s14;
	v16 =	vadd.f32 v17, v16  }
0x14e: {  	s15 =	sadd.s32 s2, s15;
	s16 =	sshrl.u32 s16, $0x3;
	p0 =	sne.s32 s14, $0x18  }
.Ltmp2:
0x14f: {  	s15 =	sadd.s32 s16, s15;
	[tilespmem:s17+$0x18470] =	vst v16;
	(pc) =	sbr.rel @p0 .LBB2_2-.Ltmp2, $4  }
0x150: {  	[hbm4b:s15+s9] =	stream.strided.scatter [tilespmem:s12], [sflag:$0x1], $0x8000, s10, s9, $0x38;
	v63 =	vld [tilespmem:$0x0]  }
0x151: {  	_ =	swait.ge [sflag:s8], $0x8000  }
0x152: {  	[sflag:s8] =	ssyncset.done $0x0  }
0x153: {  	[sflag:s8] =	ssyncadd.s32 $0xFFFF8000  }
0x154: {  	s13 =	sadd.s32 $0x1, s13  }
0x155: {  	p0 =	sne.s32 s13, s7  }
.Ltmp3:
0x156: {  	_ = 	snop;
	(pc) =	sbr.rel @p0 .LBB2_1-.Ltmp3, $1  }
0x157: {  	_ =	sdelay $0x3  }
0x158: {  	_ =	sfence.sel $0x180000  }
0x159: {  	[bflag:$0x0] =	sbarrier.arrive $0xFFFF  }
0x15a: {  	p0 =	sne.s32 s3, $0x0;
	_ =	strace $0x90000047  }
0x15b: {  	s0 =	sadd.s32 @!p0 $0x100000, s1;
	[bflag:$0x2] =	sbarrier.arrive $0xFFFF  }
0x15c: {  	[sflag:s0] =	ssyncadd.tile.s32 @!p0 $0x1;
	_ =	shalt  }
.Lfunc_end2:
_tile_overlayer_lowered:
.L_overlay_start_2:
0x15d: {  	(tag) =	ssettag $0x2  }
0x15e: {  	s0 =	rddreg [dreg:$0x0];
	s2 =	stileid.u32  }
0x15f: {  	s1 =	rddreg [dreg:$0x1];
	p0 =	sne.s32 s2, $0x0  }
0x160: {  	s3 =	rddreg [dreg:$0x2];
	[bflag:$0x3] =	sbarrier.arrive $0xFFFF;
	s2 =	simm.s32 @!p0 $0x1C01  }
0x161: {  	[timem:s3], [sflag:s2] =	dma.local @!p0 [hbm:s0], s1  }
0x162: {  	s0 =	simm.s32 @!p0 $0x1  }
0x163: {  	_ =	swait.ge @!p0 [sflag:s0], s1  }
0x164: {  	s1 =	ssub.s32 @!p0 $0x0, s1;
	[sflag:s0] =	ssyncset.done @!p0 $0x0  }
0x165: {  	[sflag:s0] =	ssyncadd.s32 @!p0 s1  }
0x166: {  	[bflag:$0x3] =	sbarrier.arrive $0xFFFF  }
0x167: {  	_ =	shalt  }

</sc_bundles>
